<compile_context>
chip_gen: v7x
topology: tpu7x:2x2x1
jax: 0.10.2.dev20260603
libtpu: 0.0.44.dev20260713+nightly
codegen_flags: <defaults>
</compile_context>

<pallas_src>
import functools

import jax
import jax.numpy as jnp
from jax import lax
from jax.experimental import pallas as pl
from jax.experimental.pallas import tpu as pltpu
from jax.experimental.pallas import tpu_sc as plsc

N = 10000
D_IN = 128
D_HID = 128
D_OUT = 64
E = 320000

NC = 2
NS = 16
NW = NC * NS

CH = 128
E_PAD = 327680
EPT_D = E_PAD // NW
NCH_D = EPT_D // CH
EPT_E = E_PAD // NS
NCH_E = EPT_E // CH
N_PAD = 10240
DUMMY = N

STRIPE = N_PAD // NS

_mesh = plsc.VectorSubcoreMesh(
    core_axis_name="c", subcore_axis_name="s", num_cores=NC, num_subcores=NS)

_sc_params = pltpu.CompilerParams(
    needs_layout_passes=False, use_tc_tiling_on_sc=False)



def _deg_body(dst_hbm, out_hbm, dst_v, deg_v):
  c = lax.axis_index("c")
  s = lax.axis_index("s")
  tile = c * NS + s

  def zero(i, _):
    deg_v[pl.ds(i * 16, 16)] = jnp.zeros((16,), jnp.float32)
    return 0
  lax.fori_loop(0, N_PAD // 16, zero, 0)

  pltpu.sync_copy(dst_hbm.at[tile], dst_v)

  ones = jnp.ones((16,), jnp.float32)

  def count(j, _):
    for k in range(CH // 16):
      idx = dst_v[j, pl.ds(k * 16, 16)]
      plsc.addupdate_scatter(deg_v, [idx], ones)
    return 0
  lax.fori_loop(0, NCH_D, count, 0)

  pltpu.sync_copy(deg_v, out_hbm.at[tile])


def _deg_kernel(dst3):
  return pl.kernel(
      _deg_body,
      out_type=jax.ShapeDtypeStruct((NW, N_PAD), jnp.float32),
      mesh=_mesh,
      scratch_types=[
          pltpu.VMEM((NCH_D, CH), jnp.int32),
          pltpu.VMEM((N_PAD,), jnp.float32),
      ],
      compiler_params=_sc_params,
  )(dst3)


def _edge_body(h_hbm, idx_hbm, zeros_hbm, out_hbm,
               ibs, rws, h_sh, acc_sh, sgs, sis, *, dh):
  c = lax.axis_index("c")
  s = lax.axis_index("s")

  pltpu.sync_copy(h_hbm.at[c, pl.ds(s * STRIPE, STRIPE)],
                  h_sh.at[pl.ds(s * STRIPE, STRIPE)])
  pltpu.sync_copy(zeros_hbm.at[pl.ds(s * STRIPE, STRIPE)],
                  acc_sh.at[pl.ds(s * STRIPE, STRIPE)])
  plsc.subcore_barrier()

  for b in range(4):
    pltpu.async_copy(idx_hbm.at[s, b], ibs[b], sis[b])
  for b in range(3):
    pltpu.make_async_copy(idx_hbm.at[s, b], ibs[b], sis[b]).wait()
    pltpu.async_copy(h_sh.at[ibs[b].at[0]], rws[b], sgs[b])

  def group(g, _):
    for b in range(4):
      j = g * 4 + b
      b3 = (b + 3) % 4

      @pl.when(j + 3 < NCH_E)
      def _():
        pltpu.make_async_copy(idx_hbm.at[s, j + 3], ibs[b3], sis[b3]).wait()
        pltpu.async_copy(h_sh.at[ibs[b3].at[0]], rws[b3], sgs[b3])

      pltpu.make_async_copy(h_sh.at[ibs[b].at[0]], rws[b], sgs[b]).wait()
      pltpu.sync_copy(rws[b], acc_sh.at[ibs[b].at[1]], add=True)

      @pl.when(j + 4 < NCH_E)
      def _():
        pltpu.async_copy(idx_hbm.at[s, j + 4], ibs[b], sis[b])
    return 0

  lax.fori_loop(0, NCH_E // 4, group, 0)
  plsc.subcore_barrier()

  pltpu.sync_copy(acc_sh.at[pl.ds(s * STRIPE, STRIPE)],
                  out_hbm.at[c, pl.ds(s * STRIPE, STRIPE)])


def _edge_kernel(h, idx4, zeros_nd, dh):
  body = functools.partial(_edge_body, dh=dh)
  return pl.kernel(
      body,
      out_type=jax.ShapeDtypeStruct((NC, N_PAD, dh), jnp.float32),
      mesh=_mesh,
      scratch_types=[
          [pltpu.VMEM((2, CH), jnp.int32)] * 4,
          [pltpu.VMEM((CH, dh), jnp.float32)] * 4,
          pltpu.VMEM_SHARED((N_PAD, dh), jnp.float32),
          pltpu.VMEM_SHARED((N_PAD, dh), jnp.float32),
          [pltpu.SemaphoreType.DMA] * 4,
          [pltpu.SemaphoreType.DMA] * 4,
      ],
      compiler_params=_sc_params,
  )(h, idx4, zeros_nd)



_R = 2000


def _dis(degt_ref):
  deg = 1.0 + jnp.sum(degt_ref[...], axis=1, keepdims=True)
  return lax.rsqrt(deg)


def _scale_in_body(x_ref, w_ref, degt_ref, out_ref):
  dis = _dis(degt_ref)
  h = jnp.dot(x_ref[...], w_ref[0], preferred_element_type=jnp.float32)
  out_ref[0] = h * dis


def _tc_scale_in(x, w, degt, d_in, dh):
  return pl.pallas_call(
      _scale_in_body,
      grid=(N // _R, NC),
      in_specs=[
          pl.BlockSpec((_R, d_in), lambda j, c: (j, 0)),
          pl.BlockSpec((1, d_in, dh), lambda j, c: (c, 0, 0)),
          pl.BlockSpec((_R, NW), lambda j, c: (j, 0)),
      ],
      out_specs=pl.BlockSpec((1, _R, dh), lambda j, c: (c, j, 0)),
      out_shape=jax.ShapeDtypeStruct((NC, N_PAD, dh), jnp.float32),
  )(x, w, degt)


def _mid_body(acc_ref, hp_ref, degt_ref, b_ref, w_ref, out_ref):
  dis = _dis(degt_ref)
  tot = jnp.concatenate(
      [acc_ref[0] + hp_ref[0], acc_ref[1] + hp_ref[1]], axis=1)
  z = jnp.maximum(dis * tot + b_ref[...], 0.0)
  h2 = jnp.dot(z, w_ref[0], preferred_element_type=jnp.float32)
  out_ref[0] = h2 * dis


def _tc_mid(acc, hp, degt, b, w, dh_in, dh_out):
  return pl.pallas_call(
      _mid_body,
      grid=(N // _R, NC),
      in_specs=[
          pl.BlockSpec((NC, _R, dh_in), lambda j, c: (0, j, 0)),
          pl.BlockSpec((NC, _R, dh_in), lambda j, c: (0, j, 0)),
          pl.BlockSpec((_R, NW), lambda j, c: (j, 0)),
          pl.BlockSpec((1, 2 * dh_in), lambda j, c: (0, 0)),
          pl.BlockSpec((1, 2 * dh_in, dh_out), lambda j, c: (c, 0, 0)),
      ],
      out_specs=pl.BlockSpec((1, _R, dh_out), lambda j, c: (c, j, 0)),
      out_shape=jax.ShapeDtypeStruct((NC, N_PAD, dh_out), jnp.float32),
  )(acc, hp, degt, b, w)


def _final_body(acc_ref, hp_ref, degt_ref, b_ref, out_ref):
  dis = _dis(degt_ref)
  tot = jnp.concatenate(
      [acc_ref[0] + hp_ref[0], acc_ref[1] + hp_ref[1]], axis=1)
  out_ref[...] = jnp.maximum(dis * tot + b_ref[...], 0.0)


def _tc_final(acc, hp, degt, b, dh):
  return pl.pallas_call(
      _final_body,
      grid=(N // _R,),
      in_specs=[
          pl.BlockSpec((NC, _R, dh), lambda j: (0, j, 0)),
          pl.BlockSpec((NC, _R, dh), lambda j: (0, j, 0)),
          pl.BlockSpec((_R, NW), lambda j: (j, 0)),
          pl.BlockSpec((1, 2 * dh), lambda j: (0, 0)),
      ],
      out_specs=pl.BlockSpec((_R, 2 * dh), lambda j: (j, 0)),
      out_shape=jax.ShapeDtypeStruct((N, 2 * dh), jnp.float32),
  )(acc, hp, degt, b)



def kernel(x, edge_index, W1, b1, W2, b2):
  src = edge_index[0].astype(jnp.int32)
  dst = edge_index[1].astype(jnp.int32)
  pad = E_PAD - E
  src_p = jnp.concatenate([src, jnp.zeros((pad,), jnp.int32)])
  dst_p = jnp.concatenate([dst, jnp.full((pad,), DUMMY, jnp.int32)])
  dst3 = dst_p.reshape(NW, NCH_D, CH)
  idx4 = jnp.stack([src_p.reshape(NS, NCH_E, CH),
                    dst_p.reshape(NS, NCH_E, CH)], axis=2)

  deg_parts = _deg_kernel(dst3)
  degt = deg_parts.T[:N]

  zeros_64 = jnp.zeros((N_PAD, D_HID // 2), jnp.float32)
  zeros_32 = jnp.zeros((N_PAD, D_OUT // 2), jnp.float32)

  W1s = W1.reshape(D_IN, NC, D_HID // 2).transpose(1, 0, 2)
  W2s = W2.reshape(D_HID, NC, D_OUT // 2).transpose(1, 0, 2)

  h1p = _tc_scale_in(x, W1s, degt, D_IN, D_HID // 2)
  acc1 = _edge_kernel(h1p, idx4, zeros_64, D_HID // 2)
  h2p = _tc_mid(acc1, h1p, degt, b1.reshape(1, D_HID), W2s,
                D_HID // 2, D_OUT // 2)
  acc2 = _edge_kernel(h2p, idx4, zeros_32, D_OUT // 2)
  out = _tc_final(acc2, h2p, degt, b2.reshape(1, D_OUT), D_OUT // 2)
  return out

# --- scband reference (transcript-rebuilt; emitter-appended) ---
"""Pipeline reference for scband-encoder-3934190043972 (READ-ONLY COPY).

The authoritative reference and input builder live on the scoring server;
editing this copy changes nothing except your own understanding.
"""

import jax, jax.numpy as jnp
import numpy as np

N = 10000
D_IN = 128
D_HID = 128  # 2 * out_channels
D_OUT = 64
E = 320000


def gcn_layer(x, edge_index, W, b):
    # Faithful GCNConv: linear transform, add self-loops, symmetric deg^{-1/2} norm, scatter-add, bias.
    src = edge_index[0]
    dst = edge_index[1]
    loop = jnp.arange(N, dtype=src.dtype)
    src = jnp.concatenate([src, loop])
    dst = jnp.concatenate([dst, loop])
    deg = jax.ops.segment_sum(jnp.ones(src.shape[0], dtype=x.dtype), dst, num_segments=N)
    dis = jnp.where(deg > 0, 1.0 / jnp.sqrt(jnp.where(deg > 0, deg, 1.0)), 0.0)
    norm = dis[src] * dis[dst]
    h = x @ W
    msg = h[src] * norm[:, None]
    out = jax.ops.segment_sum(msg, dst, num_segments=N)
    return out + b


def setup_inputs(seed: int = 0) -> dict:
    key = jax.random.key(seed)
    k1, k2, k3, k4, k5, k6 = jax.random.split(key, 6)
    x = jax.random.normal(k1, (N, D_IN), dtype=jnp.float32)
    edge_index = jax.random.randint(k2, (2, E), 0, N)
    W1 = jax.random.normal(k3, (D_IN, D_HID), dtype=jnp.float32) * (1.0 / np.sqrt(D_IN))
    b1 = jnp.zeros((D_HID,), dtype=jnp.float32)
    W2 = jax.random.normal(k4, (D_HID, D_OUT), dtype=jnp.float32) * (1.0 / np.sqrt(D_HID))
    b2 = jnp.zeros((D_OUT,), dtype=jnp.float32)
    return {"x": x, "edge_index": edge_index, "W1": W1, "b1": b1, "W2": W2, "b2": b2}


def reference(x, edge_index, W1, b1, W2, b2):
    # Encoder.forward: k=2 layers, relu after each conv
    h = jax.nn.relu(gcn_layer(x, edge_index, W1, b1))
    out = jax.nn.relu(gcn_layer(h, edge_index, W2, b2))
    return out

if __name__ == "__main__":
    import jax
    _d = setup_inputs()
    print(jax.jit(kernel)(*tuple(_d.values())))

</pallas_src>

<mosaic_0001>
#map = affine_map<(d0, d1) -> (0, 0, 0)>
#map1 = affine_map<(d0, d1) -> (0, 0, 0, 0)>
#map2 = affine_map<(d0, d1) -> (0, 0)>
module attributes {stable_mosaic.version = 14 : i64} {
  func.func @_edge_body(%arg0: i32, %arg1: i32, %arg2: memref<2x10240x64xf32, #tpu.memory_space<hbm>>, %arg3: memref<16x160x2x128xi32, #tpu.memory_space<hbm>>, %arg4: memref<10240x64xf32, #tpu.memory_space<hbm>>, %arg5: memref<2x10240x64xf32, #tpu.memory_space<hbm>>, %arg6: memref<2x128xi32, #tpu.memory_space<vmem>>, %arg7: memref<2x128xi32, #tpu.memory_space<vmem>>, %arg8: memref<2x128xi32, #tpu.memory_space<vmem>>, %arg9: memref<2x128xi32, #tpu.memory_space<vmem>>, %arg10: memref<128x64xf32, #tpu.memory_space<vmem>>, %arg11: memref<128x64xf32, #tpu.memory_space<vmem>>, %arg12: memref<128x64xf32, #tpu.memory_space<vmem>>, %arg13: memref<128x64xf32, #tpu.memory_space<vmem>>, %arg14: memref<10240x64xf32, #tpu.memory_space<vmem_shared>>, %arg15: memref<10240x64xf32, #tpu.memory_space<vmem_shared>>, %arg16: memref<!tpu.dma_semaphore, #tpu.memory_space<semaphore_mem>>, %arg17: memref<!tpu.dma_semaphore, #tpu.memory_space<semaphore_mem>>, %arg18: memref<!tpu.dma_semaphore, #tpu.memory_space<semaphore_mem>>, %arg19: memref<!tpu.dma_semaphore, #tpu.memory_space<semaphore_mem>>, %arg20: memref<!tpu.dma_semaphore, #tpu.memory_space<semaphore_mem>>, %arg21: memref<!tpu.dma_semaphore, #tpu.memory_space<semaphore_mem>>, %arg22: memref<!tpu.dma_semaphore, #tpu.memory_space<semaphore_mem>>, %arg23: memref<!tpu.dma_semaphore, #tpu.memory_space<semaphore_mem>>) attributes {dimension_semantics = [#tpu.dimension_semantics<core_parallel>, #tpu.dimension_semantics<subcore_parallel>], iteration_bounds = array<i64: 2, 16>, scalar_prefetch = 0 : i64, scratch_operands = 18 : i64, tpu.core_type = #tpu.core_type<sc_vector_subcore>, window_params = [{transform_indices = #map}, {transform_indices = #map1}, {transform_indices = #map2}, {transform_indices = #map}]} {
    %mul3A = arith.constant 640 : i32
    %mul3A_0 = arith.muli %arg1, %mul3A : i32
    %mul3A_1 = arith.constant 640 : i32
    %mul3A_2 = arith.muli %arg1, %mul3A_1 : i32
    "tpu.region"() ({
      %run_scoped3A = tpu.sem_alloc : memref<!tpu.dma_semaphore, #tpu.memory_space<semaphore_mem>>
      %dma_start3A_100 = arith.constant 0 : i32
      %dma_start3A_101 = tpu.memref_slice %arg14[%mul3A_2, %dma_start3A_100] : memref<10240x64xf32, #tpu.memory_space<vmem_shared>> -> memref<640x64xf32, #tpu.memory_space<vmem_shared>>
      %dma_start3A_102 = arith.constant 0 : i32
      %dma_start3A_103 = tpu.memref_slice %arg2[%arg0, %mul3A_0, %dma_start3A_102] : memref<2x10240x64xf32, #tpu.memory_space<hbm>> -> memref<1x640x64xf32, #tpu.memory_space<hbm>>
      %dma_start3A_104 = tpu.memref_squeeze %dma_start3A_103 : memref<1x640x64xf32, #tpu.memory_space<hbm>> -> memref<640x64xf32, #tpu.memory_space<hbm>>
      tpu.enqueue_dma source(%dma_start3A_104 : memref<640x64xf32, #tpu.memory_space<hbm>>) target(%dma_start3A_101 : memref<640x64xf32, #tpu.memory_space<vmem_shared>>) target_semaphore(%run_scoped3A : memref<!tpu.dma_semaphore, #tpu.memory_space<semaphore_mem>>)
      %dma_wait3A_105 = arith.constant 0 : i32
      %dma_wait3A_106 = tpu.memref_slice %arg14[%mul3A_2, %dma_wait3A_105] : memref<10240x64xf32, #tpu.memory_space<vmem_shared>> -> memref<640x64xf32, #tpu.memory_space<vmem_shared>>
      %dma_wait3A_107 = arith.constant 0 : i32
      %dma_wait3A_108 = tpu.memref_slice %arg2[%arg0, %mul3A_0, %dma_wait3A_107] : memref<2x10240x64xf32, #tpu.memory_space<hbm>> -> memref<1x640x64xf32, #tpu.memory_space<hbm>>
      %dma_wait3A_109 = tpu.memref_squeeze %dma_wait3A_108 : memref<1x640x64xf32, #tpu.memory_space<hbm>> -> memref<640x64xf32, #tpu.memory_space<hbm>>
      tpu.wait_dma2 semaphore(%run_scoped3A : memref<!tpu.dma_semaphore, #tpu.memory_space<semaphore_mem>>) src(%dma_wait3A_109 : memref<640x64xf32, #tpu.memory_space<hbm>>) dst(%dma_wait3A_106 : memref<640x64xf32, #tpu.memory_space<vmem_shared>>)
      tpu.yield
    }) : () -> ()
    %mul3A_3 = arith.constant 640 : i32
    %mul3A_4 = arith.muli %arg1, %mul3A_3 : i32
    %mul3A_5 = arith.constant 640 : i32
    %mul3A_6 = arith.muli %arg1, %mul3A_5 : i32
    "tpu.region"() ({
      %run_scoped3A = tpu.sem_alloc : memref<!tpu.dma_semaphore, #tpu.memory_space<semaphore_mem>>
      %dma_start3A_100 = arith.constant 0 : i32
      %dma_start3A_101 = tpu.memref_slice %arg15[%mul3A_6, %dma_start3A_100] : memref<10240x64xf32, #tpu.memory_space<vmem_shared>> -> memref<640x64xf32, #tpu.memory_space<vmem_shared>>
      %dma_start3A_102 = arith.constant 0 : i32
      %dma_start3A_103 = tpu.memref_slice %arg4[%mul3A_4, %dma_start3A_102] : memref<10240x64xf32, #tpu.memory_space<hbm>> -> memref<640x64xf32, #tpu.memory_space<hbm>>
      tpu.enqueue_dma source(%dma_start3A_103 : memref<640x64xf32, #tpu.memory_space<hbm>>) target(%dma_start3A_101 : memref<640x64xf32, #tpu.memory_space<vmem_shared>>) target_semaphore(%run_scoped3A : memref<!tpu.dma_semaphore, #tpu.memory_space<semaphore_mem>>)
      %dma_wait3A_104 = arith.constant 0 : i32
      %dma_wait3A_105 = tpu.memref_slice %arg15[%mul3A_6, %dma_wait3A_104] : memref<10240x64xf32, #tpu.memory_space<vmem_shared>> -> memref<640x64xf32, #tpu.memory_space<vmem_shared>>
      %dma_wait3A_106 = arith.constant 0 : i32
      %dma_wait3A_107 = tpu.memref_slice %arg4[%mul3A_4, %dma_wait3A_106] : memref<10240x64xf32, #tpu.memory_space<hbm>> -> memref<640x64xf32, #tpu.memory_space<hbm>>
      tpu.wait_dma2 semaphore(%run_scoped3A : memref<!tpu.dma_semaphore, #tpu.memory_space<semaphore_mem>>) src(%dma_wait3A_107 : memref<640x64xf32, #tpu.memory_space<hbm>>) dst(%dma_wait3A_105 : memref<640x64xf32, #tpu.memory_space<vmem_shared>>)
      tpu.yield
    }) : () -> ()
    %barrier3A = arith.constant 0 : index
    tpu.barrier barrier_id(%barrier3A)
    %dma_start3A = arith.constant 0 : i32
    %dma_start3A_7 = arith.constant 0 : i32
    %dma_start3A_8 = arith.constant 0 : i32
    %dma_start3A_9 = tpu.memref_slice %arg3[%arg1, %dma_start3A, %dma_start3A_7, %dma_start3A_8] : memref<16x160x2x128xi32, #tpu.memory_space<hbm>> -> memref<1x1x2x128xi32, #tpu.memory_space<hbm>>
    %dma_start3A_10 = tpu.memref_squeeze %dma_start3A_9 : memref<1x1x2x128xi32, #tpu.memory_space<hbm>> -> memref<2x128xi32, #tpu.memory_space<hbm>>
    %dma_start3A_11 = arith.constant 0 : i32
    %dma_start3A_12 = arith.constant 0 : i32
    %dma_start3A_13 = tpu.memref_slice %arg3[%arg1, %dma_start3A, %dma_start3A_11, %dma_start3A_12] : memref<16x160x2x128xi32, #tpu.memory_space<hbm>> -> memref<1x1x2x128xi32, #tpu.memory_space<hbm>>
    %dma_start3A_14 = tpu.memref_squeeze %dma_start3A_13 : memref<1x1x2x128xi32, #tpu.memory_space<hbm>> -> memref<2x128xi32, #tpu.memory_space<hbm>>
    tpu.enqueue_dma source(%dma_start3A_14 : memref<2x128xi32, #tpu.memory_space<hbm>>) target(%arg6 : memref<2x128xi32, #tpu.memory_space<vmem>>) target_semaphore(%arg20 : memref<!tpu.dma_semaphore, #tpu.memory_space<semaphore_mem>>)
    %dma_start3A_15 = arith.constant 1 : i32
    %dma_start3A_16 = arith.constant 0 : i32
    %dma_start3A_17 = arith.constant 0 : i32
    %dma_start3A_18 = tpu.memref_slice %arg3[%arg1, %dma_start3A_15, %dma_start3A_16, %dma_start3A_17] : memref<16x160x2x128xi32, #tpu.memory_space<hbm>> -> memref<1x1x2x128xi32, #tpu.memory_space<hbm>>
    %dma_start3A_19 = tpu.memref_squeeze %dma_start3A_18 : memref<1x1x2x128xi32, #tpu.memory_space<hbm>> -> memref<2x128xi32, #tpu.memory_space<hbm>>
    %dma_start3A_20 = arith.constant 0 : i32
    %dma_start3A_21 = arith.constant 0 : i32
    %dma_start3A_22 = tpu.memref_slice %arg3[%arg1, %dma_start3A_15, %dma_start3A_20, %dma_start3A_21] : memref<16x160x2x128xi32, #tpu.memory_space<hbm>> -> memref<1x1x2x128xi32, #tpu.memory_space<hbm>>
    %dma_start3A_23 = tpu.memref_squeeze %dma_start3A_22 : memref<1x1x2x128xi32, #tpu.memory_space<hbm>> -> memref<2x128xi32, #tpu.memory_space<hbm>>
    tpu.enqueue_dma source(%dma_start3A_23 : memref<2x128xi32, #tpu.memory_space<hbm>>) target(%arg7 : memref<2x128xi32, #tpu.memory_space<vmem>>) target_semaphore(%arg21 : memref<!tpu.dma_semaphore, #tpu.memory_space<semaphore_mem>>)
    %dma_start3A_24 = arith.constant 2 : i32
    %dma_start3A_25 = arith.constant 0 : i32
    %dma_start3A_26 = arith.constant 0 : i32
    %dma_start3A_27 = tpu.memref_slice %arg3[%arg1, %dma_start3A_24, %dma_start3A_25, %dma_start3A_26] : memref<16x160x2x128xi32, #tpu.memory_space<hbm>> -> memref<1x1x2x128xi32, #tpu.memory_space<hbm>>
    %dma_start3A_28 = tpu.memref_squeeze %dma_start3A_27 : memref<1x1x2x128xi32, #tpu.memory_space<hbm>> -> memref<2x128xi32, #tpu.memory_space<hbm>>
    %dma_start3A_29 = arith.constant 0 : i32
    %dma_start3A_30 = arith.constant 0 : i32
    %dma_start3A_31 = tpu.memref_slice %arg3[%arg1, %dma_start3A_24, %dma_start3A_29, %dma_start3A_30] : memref<16x160x2x128xi32, #tpu.memory_space<hbm>> -> memref<1x1x2x128xi32, #tpu.memory_space<hbm>>
    %dma_start3A_32 = tpu.memref_squeeze %dma_start3A_31 : memref<1x1x2x128xi32, #tpu.memory_space<hbm>> -> memref<2x128xi32, #tpu.memory_space<hbm>>
    tpu.enqueue_dma source(%dma_start3A_32 : memref<2x128xi32, #tpu.memory_space<hbm>>) target(%arg8 : memref<2x128xi32, #tpu.memory_space<vmem>>) target_semaphore(%arg22 : memref<!tpu.dma_semaphore, #tpu.memory_space<semaphore_mem>>)
    %dma_start3A_33 = arith.constant 3 : i32
    %dma_start3A_34 = arith.constant 0 : i32
    %dma_start3A_35 = arith.constant 0 : i32
    %dma_start3A_36 = tpu.memref_slice %arg3[%arg1, %dma_start3A_33, %dma_start3A_34, %dma_start3A_35] : memref<16x160x2x128xi32, #tpu.memory_space<hbm>> -> memref<1x1x2x128xi32, #tpu.memory_space<hbm>>
    %dma_start3A_37 = tpu.memref_squeeze %dma_start3A_36 : memref<1x1x2x128xi32, #tpu.memory_space<hbm>> -> memref<2x128xi32, #tpu.memory_space<hbm>>
    %dma_start3A_38 = arith.constant 0 : i32
    %dma_start3A_39 = arith.constant 0 : i32
    %dma_start3A_40 = tpu.memref_slice %arg3[%arg1, %dma_start3A_33, %dma_start3A_38, %dma_start3A_39] : memref<16x160x2x128xi32, #tpu.memory_space<hbm>> -> memref<1x1x2x128xi32, #tpu.memory_space<hbm>>
    %dma_start3A_41 = tpu.memref_squeeze %dma_start3A_40 : memref<1x1x2x128xi32, #tpu.memory_space<hbm>> -> memref<2x128xi32, #tpu.memory_space<hbm>>
    tpu.enqueue_dma source(%dma_start3A_41 : memref<2x128xi32, #tpu.memory_space<hbm>>) target(%arg9 : memref<2x128xi32, #tpu.memory_space<vmem>>) target_semaphore(%arg23 : memref<!tpu.dma_semaphore, #tpu.memory_space<semaphore_mem>>)
    %dma_wait3A = arith.constant 0 : i32
    %dma_wait3A_42 = arith.constant 0 : i32
    %dma_wait3A_43 = arith.constant 0 : i32
    %dma_wait3A_44 = tpu.memref_slice %arg3[%arg1, %dma_wait3A, %dma_wait3A_42, %dma_wait3A_43] : memref<16x160x2x128xi32, #tpu.memory_space<hbm>> -> memref<1x1x2x128xi32, #tpu.memory_space<hbm>>
    %dma_wait3A_45 = tpu.memref_squeeze %dma_wait3A_44 : memref<1x1x2x128xi32, #tpu.memory_space<hbm>> -> memref<2x128xi32, #tpu.memory_space<hbm>>
    %dma_wait3A_46 = arith.constant 0 : i32
    %dma_wait3A_47 = arith.constant 0 : i32
    %dma_wait3A_48 = tpu.memref_slice %arg3[%arg1, %dma_wait3A, %dma_wait3A_46, %dma_wait3A_47] : memref<16x160x2x128xi32, #tpu.memory_space<hbm>> -> memref<1x1x2x128xi32, #tpu.memory_space<hbm>>
    %dma_wait3A_49 = tpu.memref_squeeze %dma_wait3A_48 : memref<1x1x2x128xi32, #tpu.memory_space<hbm>> -> memref<2x128xi32, #tpu.memory_space<hbm>>
    tpu.wait_dma2 semaphore(%arg20 : memref<!tpu.dma_semaphore, #tpu.memory_space<semaphore_mem>>) src(%dma_wait3A_49 : memref<2x128xi32, #tpu.memory_space<hbm>>) dst(%arg6 : memref<2x128xi32, #tpu.memory_space<vmem>>)
    %dma_start3A_50 = arith.constant 0 : i32
    %dma_start3A_51 = arith.constant 0 : i32
    %dma_start3A_52 = tpu.memref_slice %arg6[%dma_start3A_50, %dma_start3A_51] : memref<2x128xi32, #tpu.memory_space<vmem>> -> memref<1x128xi32, #tpu.memory_space<vmem>>
    %dma_start3A_53 = tpu.memref_squeeze %dma_start3A_52 : memref<1x128xi32, #tpu.memory_space<vmem>> -> memref<128xi32, #tpu.memory_space<vmem>>
    %dma_start3A_54 = arith.constant 0 : i32
    %dma_start3A_55 = arith.constant 0 : i32
    %dma_start3A_56 = tpu.memref_slice %arg14[%dma_start3A_54, %dma_start3A_55] : memref<10240x64xf32, #tpu.memory_space<vmem_shared>> -> memref<10240x64xf32, #tpu.memory_space<vmem_shared>>
    tpu.enqueue_indirect_dma source(%dma_start3A_56 : memref<10240x64xf32, #tpu.memory_space<vmem_shared>>) target(%arg10 : memref<128x64xf32, #tpu.memory_space<vmem>>) offsets(%dma_start3A_53 : memref<128xi32, #tpu.memory_space<vmem>>) semaphore(%arg16 : memref<!tpu.dma_semaphore, #tpu.memory_space<semaphore_mem>>)
    %dma_wait3A_57 = arith.constant 1 : i32
    %dma_wait3A_58 = arith.constant 0 : i32
    %dma_wait3A_59 = arith.constant 0 : i32
    %dma_wait3A_60 = tpu.memref_slice %arg3[%arg1, %dma_wait3A_57, %dma_wait3A_58, %dma_wait3A_59] : memref<16x160x2x128xi32, #tpu.memory_space<hbm>> -> memref<1x1x2x128xi32, #tpu.memory_space<hbm>>
    %dma_wait3A_61 = tpu.memref_squeeze %dma_wait3A_60 : memref<1x1x2x128xi32, #tpu.memory_space<hbm>> -> memref<2x128xi32, #tpu.memory_space<hbm>>
    %dma_wait3A_62 = arith.constant 0 : i32
    %dma_wait3A_63 = arith.constant 0 : i32
    %dma_wait3A_64 = tpu.memref_slice %arg3[%arg1, %dma_wait3A_57, %dma_wait3A_62, %dma_wait3A_63] : memref<16x160x2x128xi32, #tpu.memory_space<hbm>> -> memref<1x1x2x128xi32, #tpu.memory_space<hbm>>
    %dma_wait3A_65 = tpu.memref_squeeze %dma_wait3A_64 : memref<1x1x2x128xi32, #tpu.memory_space<hbm>> -> memref<2x128xi32, #tpu.memory_space<hbm>>
    tpu.wait_dma2 semaphore(%arg21 : memref<!tpu.dma_semaphore, #tpu.memory_space<semaphore_mem>>) src(%dma_wait3A_65 : memref<2x128xi32, #tpu.memory_space<hbm>>) dst(%arg7 : memref<2x128xi32, #tpu.memory_space<vmem>>)
    %dma_start3A_66 = arith.constant 0 : i32
    %dma_start3A_67 = arith.constant 0 : i32
    %dma_start3A_68 = tpu.memref_slice %arg7[%dma_start3A_66, %dma_start3A_67] : memref<2x128xi32, #tpu.memory_space<vmem>> -> memref<1x128xi32, #tpu.memory_space<vmem>>
    %dma_start3A_69 = tpu.memref_squeeze %dma_start3A_68 : memref<1x128xi32, #tpu.memory_space<vmem>> -> memref<128xi32, #tpu.memory_space<vmem>>
    %dma_start3A_70 = arith.constant 0 : i32
    %dma_start3A_71 = arith.constant 0 : i32
    %dma_start3A_72 = tpu.memref_slice %arg14[%dma_start3A_70, %dma_start3A_71] : memref<10240x64xf32, #tpu.memory_space<vmem_shared>> -> memref<10240x64xf32, #tpu.memory_space<vmem_shared>>
    tpu.enqueue_indirect_dma source(%dma_start3A_72 : memref<10240x64xf32, #tpu.memory_space<vmem_shared>>) target(%arg11 : memref<128x64xf32, #tpu.memory_space<vmem>>) offsets(%dma_start3A_69 : memref<128xi32, #tpu.memory_space<vmem>>) semaphore(%arg17 : memref<!tpu.dma_semaphore, #tpu.memory_space<semaphore_mem>>)
    %dma_wait3A_73 = arith.constant 2 : i32
    %dma_wait3A_74 = arith.constant 0 : i32
    %dma_wait3A_75 = arith.constant 0 : i32
    %dma_wait3A_76 = tpu.memref_slice %arg3[%arg1, %dma_wait3A_73, %dma_wait3A_74, %dma_wait3A_75] : memref<16x160x2x128xi32, #tpu.memory_space<hbm>> -> memref<1x1x2x128xi32, #tpu.memory_space<hbm>>
    %dma_wait3A_77 = tpu.memref_squeeze %dma_wait3A_76 : memref<1x1x2x128xi32, #tpu.memory_space<hbm>> -> memref<2x128xi32, #tpu.memory_space<hbm>>
    %dma_wait3A_78 = arith.constant 0 : i32
    %dma_wait3A_79 = arith.constant 0 : i32
    %dma_wait3A_80 = tpu.memref_slice %arg3[%arg1, %dma_wait3A_73, %dma_wait3A_78, %dma_wait3A_79] : memref<16x160x2x128xi32, #tpu.memory_space<hbm>> -> memref<1x1x2x128xi32, #tpu.memory_space<hbm>>
    %dma_wait3A_81 = tpu.memref_squeeze %dma_wait3A_80 : memref<1x1x2x128xi32, #tpu.memory_space<hbm>> -> memref<2x128xi32, #tpu.memory_space<hbm>>
    tpu.wait_dma2 semaphore(%arg22 : memref<!tpu.dma_semaphore, #tpu.memory_space<semaphore_mem>>) src(%dma_wait3A_81 : memref<2x128xi32, #tpu.memory_space<hbm>>) dst(%arg8 : memref<2x128xi32, #tpu.memory_space<vmem>>)
    %dma_start3A_82 = arith.constant 0 : i32
    %dma_start3A_83 = arith.constant 0 : i32
    %dma_start3A_84 = tpu.memref_slice %arg8[%dma_start3A_82, %dma_start3A_83] : memref<2x128xi32, #tpu.memory_space<vmem>> -> memref<1x128xi32, #tpu.memory_space<vmem>>
    %dma_start3A_85 = tpu.memref_squeeze %dma_start3A_84 : memref<1x128xi32, #tpu.memory_space<vmem>> -> memref<128xi32, #tpu.memory_space<vmem>>
    %dma_start3A_86 = arith.constant 0 : i32
    %dma_start3A_87 = arith.constant 0 : i32
    %dma_start3A_88 = tpu.memref_slice %arg14[%dma_start3A_86, %dma_start3A_87] : memref<10240x64xf32, #tpu.memory_space<vmem_shared>> -> memref<10240x64xf32, #tpu.memory_space<vmem_shared>>
    tpu.enqueue_indirect_dma source(%dma_start3A_88 : memref<10240x64xf32, #tpu.memory_space<vmem_shared>>) target(%arg12 : memref<128x64xf32, #tpu.memory_space<vmem>>) offsets(%dma_start3A_85 : memref<128xi32, #tpu.memory_space<vmem>>) semaphore(%arg18 : memref<!tpu.dma_semaphore, #tpu.memory_space<semaphore_mem>>)
    %scan3A = arith.constant 0 : i32
    %scan3A_89 = arith.constant 0 : i32
    %scan3A_90 = arith.constant 40 : i32
    %scan3A_91 = arith.addi %scan3A_89, %scan3A_90 : i32
    %scan3A_92 = arith.constant 1 : i32
    %scan3A_93 = scf.for %scan3A_100 = %scan3A_89 to %scan3A_91 step %scan3A_92 iter_args(%scan3A_101 = %scan3A) -> (i32)  : i32 {
      %mul3A_102 = arith.constant 4 : i32
      %mul3A_103 = arith.muli %scan3A_100, %mul3A_102 : i32
      %add3A = arith.constant 0 : i32
      %add3A_104 = arith.addi %mul3A_103, %add3A : i32
      %add3A_105 = arith.constant 3 : i32
      %add3A_106 = arith.addi %add3A_104, %add3A_105 : i32
      %lt3A = arith.constant 160 : i32
      %lt3A_107 = arith.cmpi slt, %add3A_106, %lt3A : i32
      %convert_element_type3A = arith.extui %lt3A_107 : i1 to i32
      %cond3A = arith.constant 0 : i32
      %cond3A_108 = arith.cmpi ne, %convert_element_type3A, %cond3A : i32
      scf.if %cond3A_108 {
        %add3A_202 = arith.constant 3 : i32
        %add3A_203 = arith.addi %add3A_104, %add3A_202 : i32
        %dma_wait3A_204 = arith.constant 0 : i32
        %dma_wait3A_205 = arith.constant 0 : i32
        %dma_wait3A_206 = tpu.memref_slice %arg3[%arg1, %add3A_203, %dma_wait3A_204, %dma_wait3A_205] : memref<16x160x2x128xi32, #tpu.memory_space<hbm>> -> memref<1x1x2x128xi32, #tpu.memory_space<hbm>>
        %dma_wait3A_207 = tpu.memref_squeeze %dma_wait3A_206 : memref<1x1x2x128xi32, #tpu.memory_space<hbm>> -> memref<2x128xi32, #tpu.memory_space<hbm>>
        %dma_wait3A_208 = arith.constant 0 : i32
        %dma_wait3A_209 = arith.constant 0 : i32
        %dma_wait3A_210 = tpu.memref_slice %arg3[%arg1, %add3A_203, %dma_wait3A_208, %dma_wait3A_209] : memref<16x160x2x128xi32, #tpu.memory_space<hbm>> -> memref<1x1x2x128xi32, #tpu.memory_space<hbm>>
        %dma_wait3A_211 = tpu.memref_squeeze %dma_wait3A_210 : memref<1x1x2x128xi32, #tpu.memory_space<hbm>> -> memref<2x128xi32, #tpu.memory_space<hbm>>
        tpu.wait_dma2 semaphore(%arg23 : memref<!tpu.dma_semaphore, #tpu.memory_space<semaphore_mem>>) src(%dma_wait3A_211 : memref<2x128xi32, #tpu.memory_space<hbm>>) dst(%arg9 : memref<2x128xi32, #tpu.memory_space<vmem>>)
        %dma_start3A_212 = arith.constant 0 : i32
        %dma_start3A_213 = arith.constant 0 : i32
        %dma_start3A_214 = tpu.memref_slice %arg9[%dma_start3A_212, %dma_start3A_213] : memref<2x128xi32, #tpu.memory_space<vmem>> -> memref<1x128xi32, #tpu.memory_space<vmem>>
        %dma_start3A_215 = tpu.memref_squeeze %dma_start3A_214 : memref<1x128xi32, #tpu.memory_space<vmem>> -> memref<128xi32, #tpu.memory_space<vmem>>
        %dma_start3A_216 = arith.constant 0 : i32
        %dma_start3A_217 = arith.constant 0 : i32
        %dma_start3A_218 = tpu.memref_slice %arg14[%dma_start3A_216, %dma_start3A_217] : memref<10240x64xf32, #tpu.memory_space<vmem_shared>> -> memref<10240x64xf32, #tpu.memory_space<vmem_shared>>
        tpu.enqueue_indirect_dma source(%dma_start3A_218 : memref<10240x64xf32, #tpu.memory_space<vmem_shared>>) target(%arg13 : memref<128x64xf32, #tpu.memory_space<vmem>>) offsets(%dma_start3A_215 : memref<128xi32, #tpu.memory_space<vmem>>) semaphore(%arg19 : memref<!tpu.dma_semaphore, #tpu.memory_space<semaphore_mem>>)
      } else {
      }
      %dma_wait3A_109 = arith.constant 0 : i32
      %dma_wait3A_110 = arith.constant 0 : i32
      %dma_wait3A_111 = tpu.memref_slice %arg6[%dma_wait3A_109, %dma_wait3A_110] : memref<2x128xi32, #tpu.memory_space<vmem>> -> memref<1x128xi32, #tpu.memory_space<vmem>>
      %dma_wait3A_112 = tpu.memref_squeeze %dma_wait3A_111 : memref<1x128xi32, #tpu.memory_space<vmem>> -> memref<128xi32, #tpu.memory_space<vmem>>
      %dma_wait3A_113 = arith.constant 0 : i32
      %dma_wait3A_114 = arith.constant 0 : i32
      %dma_wait3A_115 = tpu.memref_slice %arg14[%dma_wait3A_113, %dma_wait3A_114] : memref<10240x64xf32, #tpu.memory_space<vmem_shared>> -> memref<10240x64xf32, #tpu.memory_space<vmem_shared>>
      tpu.wait_indirect_dma semaphore(%arg16 : memref<!tpu.dma_semaphore, #tpu.memory_space<semaphore_mem>>) src(%dma_wait3A_115 : memref<10240x64xf32, #tpu.memory_space<vmem_shared>>) dst(%arg10 : memref<128x64xf32, #tpu.memory_space<vmem>>)
      %run_scoped3A = arith.constant 1 : i32
      "tpu.region"() ({
        %run_scoped3A_202 = tpu.sem_alloc : memref<!tpu.dma_semaphore, #tpu.memory_space<semaphore_mem>>
        %dma_start3A_203 = arith.constant 0 : i32
        %dma_start3A_204 = tpu.memref_slice %arg6[%run_scoped3A, %dma_start3A_203] : memref<2x128xi32, #tpu.memory_space<vmem>> -> memref<1x128xi32, #tpu.memory_space<vmem>>
        %dma_start3A_205 = tpu.memref_squeeze %dma_start3A_204 : memref<1x128xi32, #tpu.memory_space<vmem>> -> memref<128xi32, #tpu.memory_space<vmem>>
        %dma_start3A_206 = arith.constant 0 : i32
        %dma_start3A_207 = arith.constant 0 : i32
        %dma_start3A_208 = tpu.memref_slice %arg15[%dma_start3A_206, %dma_start3A_207] : memref<10240x64xf32, #tpu.memory_space<vmem_shared>> -> memref<10240x64xf32, #tpu.memory_space<vmem_shared>>
        tpu.enqueue_indirect_dma source(%arg10 : memref<128x64xf32, #tpu.memory_space<vmem>>) target(%dma_start3A_208 : memref<10240x64xf32, #tpu.memory_space<vmem_shared>>) offsets(%dma_start3A_205 : memref<128xi32, #tpu.memory_space<vmem>>) semaphore(%run_scoped3A_202 : memref<!tpu.dma_semaphore, #tpu.memory_space<semaphore_mem>>) {add = true}
        %dma_wait3A_209 = arith.constant 0 : i32
        %dma_wait3A_210 = tpu.memref_slice %arg6[%run_scoped3A, %dma_wait3A_209] : memref<2x128xi32, #tpu.memory_space<vmem>> -> memref<1x128xi32, #tpu.memory_space<vmem>>
        %dma_wait3A_211 = tpu.memref_squeeze %dma_wait3A_210 : memref<1x128xi32, #tpu.memory_space<vmem>> -> memref<128xi32, #tpu.memory_space<vmem>>
        %dma_wait3A_212 = arith.constant 0 : i32
        %dma_wait3A_213 = arith.constant 0 : i32
        %dma_wait3A_214 = tpu.memref_slice %arg15[%dma_wait3A_212, %dma_wait3A_213] : memref<10240x64xf32, #tpu.memory_space<vmem_shared>> -> memref<10240x64xf32, #tpu.memory_space<vmem_shared>>
        tpu.wait_indirect_dma semaphore(%run_scoped3A_202 : memref<!tpu.dma_semaphore, #tpu.memory_space<semaphore_mem>>) src(%arg10 : memref<128x64xf32, #tpu.memory_space<vmem>>) dst(%dma_wait3A_214 : memref<10240x64xf32, #tpu.memory_space<vmem_shared>>)
        tpu.yield
      }) : () -> ()
      %add3A_116 = arith.constant 4 : i32
      %add3A_117 = arith.addi %add3A_104, %add3A_116 : i32
      %lt3A_118 = arith.constant 160 : i32
      %lt3A_119 = arith.cmpi slt, %add3A_117, %lt3A_118 : i32
      %convert_element_type3A_120 = arith.extui %lt3A_119 : i1 to i32
      %cond3A_121 = arith.constant 0 : i32
      %cond3A_122 = arith.cmpi ne, %convert_element_type3A_120, %cond3A_121 : i32
      scf.if %cond3A_122 {
        %add3A_202 = arith.constant 4 : i32
        %add3A_203 = arith.addi %add3A_104, %add3A_202 : i32
        %dma_start3A_204 = arith.constant 0 : i32
        %dma_start3A_205 = arith.constant 0 : i32
        %dma_start3A_206 = tpu.memref_slice %arg3[%arg1, %add3A_203, %dma_start3A_204, %dma_start3A_205] : memref<16x160x2x128xi32, #tpu.memory_space<hbm>> -> memref<1x1x2x128xi32, #tpu.memory_space<hbm>>
        %dma_start3A_207 = tpu.memref_squeeze %dma_start3A_206 : memref<1x1x2x128xi32, #tpu.memory_space<hbm>> -> memref<2x128xi32, #tpu.memory_space<hbm>>
        %dma_start3A_208 = arith.constant 0 : i32
        %dma_start3A_209 = arith.constant 0 : i32
        %dma_start3A_210 = tpu.memref_slice %arg3[%arg1, %add3A_203, %dma_start3A_208, %dma_start3A_209] : memref<16x160x2x128xi32, #tpu.memory_space<hbm>> -> memref<1x1x2x128xi32, #tpu.memory_space<hbm>>
        %dma_start3A_211 = tpu.memref_squeeze %dma_start3A_210 : memref<1x1x2x128xi32, #tpu.memory_space<hbm>> -> memref<2x128xi32, #tpu.memory_space<hbm>>
        tpu.enqueue_dma source(%dma_start3A_211 : memref<2x128xi32, #tpu.memory_space<hbm>>) target(%arg6 : memref<2x128xi32, #tpu.memory_space<vmem>>) target_semaphore(%arg20 : memref<!tpu.dma_semaphore, #tpu.memory_space<semaphore_mem>>)
      } else {
      }
      %mul3A_123 = arith.constant 4 : i32
      %mul3A_124 = arith.muli %scan3A_100, %mul3A_123 : i32
      %add3A_125 = arith.constant 1 : i32
      %add3A_126 = arith.addi %mul3A_124, %add3A_125 : i32
      %add3A_127 = arith.constant 3 : i32
      %add3A_128 = arith.addi %add3A_126, %add3A_127 : i32
      %lt3A_129 = arith.constant 160 : i32
      %lt3A_130 = arith.cmpi slt, %add3A_128, %lt3A_129 : i32
      %convert_element_type3A_131 = arith.extui %lt3A_130 : i1 to i32
      %cond3A_132 = arith.constant 0 : i32
      %cond3A_133 = arith.cmpi ne, %convert_element_type3A_131, %cond3A_132 : i32
      scf.if %cond3A_133 {
        %add3A_202 = arith.constant 3 : i32
        %add3A_203 = arith.addi %add3A_126, %add3A_202 : i32
        %dma_wait3A_204 = arith.constant 0 : i32
        %dma_wait3A_205 = arith.constant 0 : i32
        %dma_wait3A_206 = tpu.memref_slice %arg3[%arg1, %add3A_203, %dma_wait3A_204, %dma_wait3A_205] : memref<16x160x2x128xi32, #tpu.memory_space<hbm>> -> memref<1x1x2x128xi32, #tpu.memory_space<hbm>>
        %dma_wait3A_207 = tpu.memref_squeeze %dma_wait3A_206 : memref<1x1x2x128xi32, #tpu.memory_space<hbm>> -> memref<2x128xi32, #tpu.memory_space<hbm>>
        %dma_wait3A_208 = arith.constant 0 : i32
        %dma_wait3A_209 = arith.constant 0 : i32
        %dma_wait3A_210 = tpu.memref_slice %arg3[%arg1, %add3A_203, %dma_wait3A_208, %dma_wait3A_209] : memref<16x160x2x128xi32, #tpu.memory_space<hbm>> -> memref<1x1x2x128xi32, #tpu.memory_space<hbm>>
        %dma_wait3A_211 = tpu.memref_squeeze %dma_wait3A_210 : memref<1x1x2x128xi32, #tpu.memory_space<hbm>> -> memref<2x128xi32, #tpu.memory_space<hbm>>
        tpu.wait_dma2 semaphore(%arg20 : memref<!tpu.dma_semaphore, #tpu.memory_space<semaphore_mem>>) src(%dma_wait3A_211 : memref<2x128xi32, #tpu.memory_space<hbm>>) dst(%arg6 : memref<2x128xi32, #tpu.memory_space<vmem>>)
        %dma_start3A_212 = arith.constant 0 : i32
        %dma_start3A_213 = arith.constant 0 : i32
        %dma_start3A_214 = tpu.memref_slice %arg6[%dma_start3A_212, %dma_start3A_213] : memref<2x128xi32, #tpu.memory_space<vmem>> -> memref<1x128xi32, #tpu.memory_space<vmem>>
        %dma_start3A_215 = tpu.memref_squeeze %dma_start3A_214 : memref<1x128xi32, #tpu.memory_space<vmem>> -> memref<128xi32, #tpu.memory_space<vmem>>
        %dma_start3A_216 = arith.constant 0 : i32
        %dma_start3A_217 = arith.constant 0 : i32
        %dma_start3A_218 = tpu.memref_slice %arg14[%dma_start3A_216, %dma_start3A_217] : memref<10240x64xf32, #tpu.memory_space<vmem_shared>> -> memref<10240x64xf32, #tpu.memory_space<vmem_shared>>
        tpu.enqueue_indirect_dma source(%dma_start3A_218 : memref<10240x64xf32, #tpu.memory_space<vmem_shared>>) target(%arg10 : memref<128x64xf32, #tpu.memory_space<vmem>>) offsets(%dma_start3A_215 : memref<128xi32, #tpu.memory_space<vmem>>) semaphore(%arg16 : memref<!tpu.dma_semaphore, #tpu.memory_space<semaphore_mem>>)
      } else {
      }
      %dma_wait3A_134 = arith.constant 0 : i32
      %dma_wait3A_135 = arith.constant 0 : i32
      %dma_wait3A_136 = tpu.memref_slice %arg7[%dma_wait3A_134, %dma_wait3A_135] : memref<2x128xi32, #tpu.memory_space<vmem>> -> memref<1x128xi32, #tpu.memory_space<vmem>>
      %dma_wait3A_137 = tpu.memref_squeeze %dma_wait3A_136 : memref<1x128xi32, #tpu.memory_space<vmem>> -> memref<128xi32, #tpu.memory_space<vmem>>
      %dma_wait3A_138 = arith.constant 0 : i32
      %dma_wait3A_139 = arith.constant 0 : i32
      %dma_wait3A_140 = tpu.memref_slice %arg14[%dma_wait3A_138, %dma_wait3A_139] : memref<10240x64xf32, #tpu.memory_space<vmem_shared>> -> memref<10240x64xf32, #tpu.memory_space<vmem_shared>>
      tpu.wait_indirect_dma semaphore(%arg17 : memref<!tpu.dma_semaphore, #tpu.memory_space<semaphore_mem>>) src(%dma_wait3A_140 : memref<10240x64xf32, #tpu.memory_space<vmem_shared>>) dst(%arg11 : memref<128x64xf32, #tpu.memory_space<vmem>>)
      %run_scoped3A_141 = arith.constant 1 : i32
      "tpu.region"() ({
        %run_scoped3A_202 = tpu.sem_alloc : memref<!tpu.dma_semaphore, #tpu.memory_space<semaphore_mem>>
        %dma_start3A_203 = arith.constant 0 : i32
        %dma_start3A_204 = tpu.memref_slice %arg7[%run_scoped3A_141, %dma_start3A_203] : memref<2x128xi32, #tpu.memory_space<vmem>> -> memref<1x128xi32, #tpu.memory_space<vmem>>
        %dma_start3A_205 = tpu.memref_squeeze %dma_start3A_204 : memref<1x128xi32, #tpu.memory_space<vmem>> -> memref<128xi32, #tpu.memory_space<vmem>>
        %dma_start3A_206 = arith.constant 0 : i32
        %dma_start3A_207 = arith.constant 0 : i32
        %dma_start3A_208 = tpu.memref_slice %arg15[%dma_start3A_206, %dma_start3A_207] : memref<10240x64xf32, #tpu.memory_space<vmem_shared>> -> memref<10240x64xf32, #tpu.memory_space<vmem_shared>>
        tpu.enqueue_indirect_dma source(%arg11 : memref<128x64xf32, #tpu.memory_space<vmem>>) target(%dma_start3A_208 : memref<10240x64xf32, #tpu.memory_space<vmem_shared>>) offsets(%dma_start3A_205 : memref<128xi32, #tpu.memory_space<vmem>>) semaphore(%run_scoped3A_202 : memref<!tpu.dma_semaphore, #tpu.memory_space<semaphore_mem>>) {add = true}
        %dma_wait3A_209 = arith.constant 0 : i32
        %dma_wait3A_210 = tpu.memref_slice %arg7[%run_scoped3A_141, %dma_wait3A_209] : memref<2x128xi32, #tpu.memory_space<vmem>> -> memref<1x128xi32, #tpu.memory_space<vmem>>
        %dma_wait3A_211 = tpu.memref_squeeze %dma_wait3A_210 : memref<1x128xi32, #tpu.memory_space<vmem>> -> memref<128xi32, #tpu.memory_space<vmem>>
        %dma_wait3A_212 = arith.constant 0 : i32
        %dma_wait3A_213 = arith.constant 0 : i32
        %dma_wait3A_214 = tpu.memref_slice %arg15[%dma_wait3A_212, %dma_wait3A_213] : memref<10240x64xf32, #tpu.memory_space<vmem_shared>> -> memref<10240x64xf32, #tpu.memory_space<vmem_shared>>
        tpu.wait_indirect_dma semaphore(%run_scoped3A_202 : memref<!tpu.dma_semaphore, #tpu.memory_space<semaphore_mem>>) src(%arg11 : memref<128x64xf32, #tpu.memory_space<vmem>>) dst(%dma_wait3A_214 : memref<10240x64xf32, #tpu.memory_space<vmem_shared>>)
        tpu.yield
      }) : () -> ()
      %add3A_142 = arith.constant 4 : i32
      %add3A_143 = arith.addi %add3A_126, %add3A_142 : i32
      %lt3A_144 = arith.constant 160 : i32
      %lt3A_145 = arith.cmpi slt, %add3A_143, %lt3A_144 : i32
      %convert_element_type3A_146 = arith.extui %lt3A_145 : i1 to i32
      %cond3A_147 = arith.constant 0 : i32
      %cond3A_148 = arith.cmpi ne, %convert_element_type3A_146, %cond3A_147 : i32
      scf.if %cond3A_148 {
        %add3A_202 = arith.constant 4 : i32
        %add3A_203 = arith.addi %add3A_126, %add3A_202 : i32
        %dma_start3A_204 = arith.constant 0 : i32
        %dma_start3A_205 = arith.constant 0 : i32
        %dma_start3A_206 = tpu.memref_slice %arg3[%arg1, %add3A_203, %dma_start3A_204, %dma_start3A_205] : memref<16x160x2x128xi32, #tpu.memory_space<hbm>> -> memref<1x1x2x128xi32, #tpu.memory_space<hbm>>
        %dma_start3A_207 = tpu.memref_squeeze %dma_start3A_206 : memref<1x1x2x128xi32, #tpu.memory_space<hbm>> -> memref<2x128xi32, #tpu.memory_space<hbm>>
        %dma_start3A_208 = arith.constant 0 : i32
        %dma_start3A_209 = arith.constant 0 : i32
        %dma_start3A_210 = tpu.memref_slice %arg3[%arg1, %add3A_203, %dma_start3A_208, %dma_start3A_209] : memref<16x160x2x128xi32, #tpu.memory_space<hbm>> -> memref<1x1x2x128xi32, #tpu.memory_space<hbm>>
        %dma_start3A_211 = tpu.memref_squeeze %dma_start3A_210 : memref<1x1x2x128xi32, #tpu.memory_space<hbm>> -> memref<2x128xi32, #tpu.memory_space<hbm>>
        tpu.enqueue_dma source(%dma_start3A_211 : memref<2x128xi32, #tpu.memory_space<hbm>>) target(%arg7 : memref<2x128xi32, #tpu.memory_space<vmem>>) target_semaphore(%arg21 : memref<!tpu.dma_semaphore, #tpu.memory_space<semaphore_mem>>)
      } else {
      }
      %mul3A_149 = arith.constant 4 : i32
      %mul3A_150 = arith.muli %scan3A_100, %mul3A_149 : i32
      %add3A_151 = arith.constant 2 : i32
      %add3A_152 = arith.addi %mul3A_150, %add3A_151 : i32
      %add3A_153 = arith.constant 3 : i32
      %add3A_154 = arith.addi %add3A_152, %add3A_153 : i32
      %lt3A_155 = arith.constant 160 : i32
      %lt3A_156 = arith.cmpi slt, %add3A_154, %lt3A_155 : i32
      %convert_element_type3A_157 = arith.extui %lt3A_156 : i1 to i32
      %cond3A_158 = arith.constant 0 : i32
      %cond3A_159 = arith.cmpi ne, %convert_element_type3A_157, %cond3A_158 : i32
      scf.if %cond3A_159 {
        %add3A_202 = arith.constant 3 : i32
        %add3A_203 = arith.addi %add3A_152, %add3A_202 : i32
        %dma_wait3A_204 = arith.constant 0 : i32
        %dma_wait3A_205 = arith.constant 0 : i32
        %dma_wait3A_206 = tpu.memref_slice %arg3[%arg1, %add3A_203, %dma_wait3A_204, %dma_wait3A_205] : memref<16x160x2x128xi32, #tpu.memory_space<hbm>> -> memref<1x1x2x128xi32, #tpu.memory_space<hbm>>
        %dma_wait3A_207 = tpu.memref_squeeze %dma_wait3A_206 : memref<1x1x2x128xi32, #tpu.memory_space<hbm>> -> memref<2x128xi32, #tpu.memory_space<hbm>>
        %dma_wait3A_208 = arith.constant 0 : i32
        %dma_wait3A_209 = arith.constant 0 : i32
        %dma_wait3A_210 = tpu.memref_slice %arg3[%arg1, %add3A_203, %dma_wait3A_208, %dma_wait3A_209] : memref<16x160x2x128xi32, #tpu.memory_space<hbm>> -> memref<1x1x2x128xi32, #tpu.memory_space<hbm>>
        %dma_wait3A_211 = tpu.memref_squeeze %dma_wait3A_210 : memref<1x1x2x128xi32, #tpu.memory_space<hbm>> -> memref<2x128xi32, #tpu.memory_space<hbm>>
        tpu.wait_dma2 semaphore(%arg21 : memref<!tpu.dma_semaphore, #tpu.memory_space<semaphore_mem>>) src(%dma_wait3A_211 : memref<2x128xi32, #tpu.memory_space<hbm>>) dst(%arg7 : memref<2x128xi32, #tpu.memory_space<vmem>>)
        %dma_start3A_212 = arith.constant 0 : i32
        %dma_start3A_213 = arith.constant 0 : i32
        %dma_start3A_214 = tpu.memref_slice %arg7[%dma_start3A_212, %dma_start3A_213] : memref<2x128xi32, #tpu.memory_space<vmem>> -> memref<1x128xi32, #tpu.memory_space<vmem>>
        %dma_start3A_215 = tpu.memref_squeeze %dma_start3A_214 : memref<1x128xi32, #tpu.memory_space<vmem>> -> memref<128xi32, #tpu.memory_space<vmem>>
        %dma_start3A_216 = arith.constant 0 : i32
        %dma_start3A_217 = arith.constant 0 : i32
        %dma_start3A_218 = tpu.memref_slice %arg14[%dma_start3A_216, %dma_start3A_217] : memref<10240x64xf32, #tpu.memory_space<vmem_shared>> -> memref<10240x64xf32, #tpu.memory_space<vmem_shared>>
        tpu.enqueue_indirect_dma source(%dma_start3A_218 : memref<10240x64xf32, #tpu.memory_space<vmem_shared>>) target(%arg11 : memref<128x64xf32, #tpu.memory_space<vmem>>) offsets(%dma_start3A_215 : memref<128xi32, #tpu.memory_space<vmem>>) semaphore(%arg17 : memref<!tpu.dma_semaphore, #tpu.memory_space<semaphore_mem>>)
      } else {
      }
      %dma_wait3A_160 = arith.constant 0 : i32
      %dma_wait3A_161 = arith.constant 0 : i32
      %dma_wait3A_162 = tpu.memref_slice %arg8[%dma_wait3A_160, %dma_wait3A_161] : memref<2x128xi32, #tpu.memory_space<vmem>> -> memref<1x128xi32, #tpu.memory_space<vmem>>
      %dma_wait3A_163 = tpu.memref_squeeze %dma_wait3A_162 : memref<1x128xi32, #tpu.memory_space<vmem>> -> memref<128xi32, #tpu.memory_space<vmem>>
      %dma_wait3A_164 = arith.constant 0 : i32
      %dma_wait3A_165 = arith.constant 0 : i32
      %dma_wait3A_166 = tpu.memref_slice %arg14[%dma_wait3A_164, %dma_wait3A_165] : memref<10240x64xf32, #tpu.memory_space<vmem_shared>> -> memref<10240x64xf32, #tpu.memory_space<vmem_shared>>
      tpu.wait_indirect_dma semaphore(%arg18 : memref<!tpu.dma_semaphore, #tpu.memory_space<semaphore_mem>>) src(%dma_wait3A_166 : memref<10240x64xf32, #tpu.memory_space<vmem_shared>>) dst(%arg12 : memref<128x64xf32, #tpu.memory_space<vmem>>)
      %run_scoped3A_167 = arith.constant 1 : i32
      "tpu.region"() ({
        %run_scoped3A_202 = tpu.sem_alloc : memref<!tpu.dma_semaphore, #tpu.memory_space<semaphore_mem>>
        %dma_start3A_203 = arith.constant 0 : i32
        %dma_start3A_204 = tpu.memref_slice %arg8[%run_scoped3A_167, %dma_start3A_203] : memref<2x128xi32, #tpu.memory_space<vmem>> -> memref<1x128xi32, #tpu.memory_space<vmem>>
        %dma_start3A_205 = tpu.memref_squeeze %dma_start3A_204 : memref<1x128xi32, #tpu.memory_space<vmem>> -> memref<128xi32, #tpu.memory_space<vmem>>
        %dma_start3A_206 = arith.constant 0 : i32
        %dma_start3A_207 = arith.constant 0 : i32
        %dma_start3A_208 = tpu.memref_slice %arg15[%dma_start3A_206, %dma_start3A_207] : memref<10240x64xf32, #tpu.memory_space<vmem_shared>> -> memref<10240x64xf32, #tpu.memory_space<vmem_shared>>
        tpu.enqueue_indirect_dma source(%arg12 : memref<128x64xf32, #tpu.memory_space<vmem>>) target(%dma_start3A_208 : memref<10240x64xf32, #tpu.memory_space<vmem_shared>>) offsets(%dma_start3A_205 : memref<128xi32, #tpu.memory_space<vmem>>) semaphore(%run_scoped3A_202 : memref<!tpu.dma_semaphore, #tpu.memory_space<semaphore_mem>>) {add = true}
        %dma_wait3A_209 = arith.constant 0 : i32
        %dma_wait3A_210 = tpu.memref_slice %arg8[%run_scoped3A_167, %dma_wait3A_209] : memref<2x128xi32, #tpu.memory_space<vmem>> -> memref<1x128xi32, #tpu.memory_space<vmem>>
        %dma_wait3A_211 = tpu.memref_squeeze %dma_wait3A_210 : memref<1x128xi32, #tpu.memory_space<vmem>> -> memref<128xi32, #tpu.memory_space<vmem>>
        %dma_wait3A_212 = arith.constant 0 : i32
        %dma_wait3A_213 = arith.constant 0 : i32
        %dma_wait3A_214 = tpu.memref_slice %arg15[%dma_wait3A_212, %dma_wait3A_213] : memref<10240x64xf32, #tpu.memory_space<vmem_shared>> -> memref<10240x64xf32, #tpu.memory_space<vmem_shared>>
        tpu.wait_indirect_dma semaphore(%run_scoped3A_202 : memref<!tpu.dma_semaphore, #tpu.memory_space<semaphore_mem>>) src(%arg12 : memref<128x64xf32, #tpu.memory_space<vmem>>) dst(%dma_wait3A_214 : memref<10240x64xf32, #tpu.memory_space<vmem_shared>>)
        tpu.yield
      }) : () -> ()
      %add3A_168 = arith.constant 4 : i32
      %add3A_169 = arith.addi %add3A_152, %add3A_168 : i32
      %lt3A_170 = arith.constant 160 : i32
      %lt3A_171 = arith.cmpi slt, %add3A_169, %lt3A_170 : i32
      %convert_element_type3A_172 = arith.extui %lt3A_171 : i1 to i32
      %cond3A_173 = arith.constant 0 : i32
      %cond3A_174 = arith.cmpi ne, %convert_element_type3A_172, %cond3A_173 : i32
      scf.if %cond3A_174 {
        %add3A_202 = arith.constant 4 : i32
        %add3A_203 = arith.addi %add3A_152, %add3A_202 : i32
        %dma_start3A_204 = arith.constant 0 : i32
        %dma_start3A_205 = arith.constant 0 : i32
        %dma_start3A_206 = tpu.memref_slice %arg3[%arg1, %add3A_203, %dma_start3A_204, %dma_start3A_205] : memref<16x160x2x128xi32, #tpu.memory_space<hbm>> -> memref<1x1x2x128xi32, #tpu.memory_space<hbm>>
        %dma_start3A_207 = tpu.memref_squeeze %dma_start3A_206 : memref<1x1x2x128xi32, #tpu.memory_space<hbm>> -> memref<2x128xi32, #tpu.memory_space<hbm>>
        %dma_start3A_208 = arith.constant 0 : i32
        %dma_start3A_209 = arith.constant 0 : i32
        %dma_start3A_210 = tpu.memref_slice %arg3[%arg1, %add3A_203, %dma_start3A_208, %dma_start3A_209] : memref<16x160x2x128xi32, #tpu.memory_space<hbm>> -> memref<1x1x2x128xi32, #tpu.memory_space<hbm>>
        %dma_start3A_211 = tpu.memref_squeeze %dma_start3A_210 : memref<1x1x2x128xi32, #tpu.memory_space<hbm>> -> memref<2x128xi32, #tpu.memory_space<hbm>>
        tpu.enqueue_dma source(%dma_start3A_211 : memref<2x128xi32, #tpu.memory_space<hbm>>) target(%arg8 : memref<2x128xi32, #tpu.memory_space<vmem>>) target_semaphore(%arg22 : memref<!tpu.dma_semaphore, #tpu.memory_space<semaphore_mem>>)
      } else {
      }
      %mul3A_175 = arith.constant 4 : i32
      %mul3A_176 = arith.muli %scan3A_100, %mul3A_175 : i32
      %add3A_177 = arith.constant 3 : i32
      %add3A_178 = arith.addi %mul3A_176, %add3A_177 : i32
      %add3A_179 = arith.constant 3 : i32
      %add3A_180 = arith.addi %add3A_178, %add3A_179 : i32
      %lt3A_181 = arith.constant 160 : i32
      %lt3A_182 = arith.cmpi slt, %add3A_180, %lt3A_181 : i32
      %convert_element_type3A_183 = arith.extui %lt3A_182 : i1 to i32
      %cond3A_184 = arith.constant 0 : i32
      %cond3A_185 = arith.cmpi ne, %convert_element_type3A_183, %cond3A_184 : i32
      scf.if %cond3A_185 {
        %add3A_202 = arith.constant 3 : i32
        %add3A_203 = arith.addi %add3A_178, %add3A_202 : i32
        %dma_wait3A_204 = arith.constant 0 : i32
        %dma_wait3A_205 = arith.constant 0 : i32
        %dma_wait3A_206 = tpu.memref_slice %arg3[%arg1, %add3A_203, %dma_wait3A_204, %dma_wait3A_205] : memref<16x160x2x128xi32, #tpu.memory_space<hbm>> -> memref<1x1x2x128xi32, #tpu.memory_space<hbm>>
        %dma_wait3A_207 = tpu.memref_squeeze %dma_wait3A_206 : memref<1x1x2x128xi32, #tpu.memory_space<hbm>> -> memref<2x128xi32, #tpu.memory_space<hbm>>
        %dma_wait3A_208 = arith.constant 0 : i32
        %dma_wait3A_209 = arith.constant 0 : i32
        %dma_wait3A_210 = tpu.memref_slice %arg3[%arg1, %add3A_203, %dma_wait3A_208, %dma_wait3A_209] : memref<16x160x2x128xi32, #tpu.memory_space<hbm>> -> memref<1x1x2x128xi32, #tpu.memory_space<hbm>>
        %dma_wait3A_211 = tpu.memref_squeeze %dma_wait3A_210 : memref<1x1x2x128xi32, #tpu.memory_space<hbm>> -> memref<2x128xi32, #tpu.memory_space<hbm>>
        tpu.wait_dma2 semaphore(%arg22 : memref<!tpu.dma_semaphore, #tpu.memory_space<semaphore_mem>>) src(%dma_wait3A_211 : memref<2x128xi32, #tpu.memory_space<hbm>>) dst(%arg8 : memref<2x128xi32, #tpu.memory_space<vmem>>)
        %dma_start3A_212 = arith.constant 0 : i32
        %dma_start3A_213 = arith.constant 0 : i32
        %dma_start3A_214 = tpu.memref_slice %arg8[%dma_start3A_212, %dma_start3A_213] : memref<2x128xi32, #tpu.memory_space<vmem>> -> memref<1x128xi32, #tpu.memory_space<vmem>>
        %dma_start3A_215 = tpu.memref_squeeze %dma_start3A_214 : memref<1x128xi32, #tpu.memory_space<vmem>> -> memref<128xi32, #tpu.memory_space<vmem>>
        %dma_start3A_216 = arith.constant 0 : i32
        %dma_start3A_217 = arith.constant 0 : i32
        %dma_start3A_218 = tpu.memref_slice %arg14[%dma_start3A_216, %dma_start3A_217] : memref<10240x64xf32, #tpu.memory_space<vmem_shared>> -> memref<10240x64xf32, #tpu.memory_space<vmem_shared>>
        tpu.enqueue_indirect_dma source(%dma_start3A_218 : memref<10240x64xf32, #tpu.memory_space<vmem_shared>>) target(%arg12 : memref<128x64xf32, #tpu.memory_space<vmem>>) offsets(%dma_start3A_215 : memref<128xi32, #tpu.memory_space<vmem>>) semaphore(%arg18 : memref<!tpu.dma_semaphore, #tpu.memory_space<semaphore_mem>>)
      } else {
      }
      %dma_wait3A_186 = arith.constant 0 : i32
      %dma_wait3A_187 = arith.constant 0 : i32
      %dma_wait3A_188 = tpu.memref_slice %arg9[%dma_wait3A_186, %dma_wait3A_187] : memref<2x128xi32, #tpu.memory_space<vmem>> -> memref<1x128xi32, #tpu.memory_space<vmem>>
      %dma_wait3A_189 = tpu.memref_squeeze %dma_wait3A_188 : memref<1x128xi32, #tpu.memory_space<vmem>> -> memref<128xi32, #tpu.memory_space<vmem>>
      %dma_wait3A_190 = arith.constant 0 : i32
      %dma_wait3A_191 = arith.constant 0 : i32
      %dma_wait3A_192 = tpu.memref_slice %arg14[%dma_wait3A_190, %dma_wait3A_191] : memref<10240x64xf32, #tpu.memory_space<vmem_shared>> -> memref<10240x64xf32, #tpu.memory_space<vmem_shared>>
      tpu.wait_indirect_dma semaphore(%arg19 : memref<!tpu.dma_semaphore, #tpu.memory_space<semaphore_mem>>) src(%dma_wait3A_192 : memref<10240x64xf32, #tpu.memory_space<vmem_shared>>) dst(%arg13 : memref<128x64xf32, #tpu.memory_space<vmem>>)
      %run_scoped3A_193 = arith.constant 1 : i32
      "tpu.region"() ({
        %run_scoped3A_202 = tpu.sem_alloc : memref<!tpu.dma_semaphore, #tpu.memory_space<semaphore_mem>>
        %dma_start3A_203 = arith.constant 0 : i32
        %dma_start3A_204 = tpu.memref_slice %arg9[%run_scoped3A_193, %dma_start3A_203] : memref<2x128xi32, #tpu.memory_space<vmem>> -> memref<1x128xi32, #tpu.memory_space<vmem>>
        %dma_start3A_205 = tpu.memref_squeeze %dma_start3A_204 : memref<1x128xi32, #tpu.memory_space<vmem>> -> memref<128xi32, #tpu.memory_space<vmem>>
        %dma_start3A_206 = arith.constant 0 : i32
        %dma_start3A_207 = arith.constant 0 : i32
        %dma_start3A_208 = tpu.memref_slice %arg15[%dma_start3A_206, %dma_start3A_207] : memref<10240x64xf32, #tpu.memory_space<vmem_shared>> -> memref<10240x64xf32, #tpu.memory_space<vmem_shared>>
        tpu.enqueue_indirect_dma source(%arg13 : memref<128x64xf32, #tpu.memory_space<vmem>>) target(%dma_start3A_208 : memref<10240x64xf32, #tpu.memory_space<vmem_shared>>) offsets(%dma_start3A_205 : memref<128xi32, #tpu.memory_space<vmem>>) semaphore(%run_scoped3A_202 : memref<!tpu.dma_semaphore, #tpu.memory_space<semaphore_mem>>) {add = true}
        %dma_wait3A_209 = arith.constant 0 : i32
        %dma_wait3A_210 = tpu.memref_slice %arg9[%run_scoped3A_193, %dma_wait3A_209] : memref<2x128xi32, #tpu.memory_space<vmem>> -> memref<1x128xi32, #tpu.memory_space<vmem>>
        %dma_wait3A_211 = tpu.memref_squeeze %dma_wait3A_210 : memref<1x128xi32, #tpu.memory_space<vmem>> -> memref<128xi32, #tpu.memory_space<vmem>>
        %dma_wait3A_212 = arith.constant 0 : i32
        %dma_wait3A_213 = arith.constant 0 : i32
        %dma_wait3A_214 = tpu.memref_slice %arg15[%dma_wait3A_212, %dma_wait3A_213] : memref<10240x64xf32, #tpu.memory_space<vmem_shared>> -> memref<10240x64xf32, #tpu.memory_space<vmem_shared>>
        tpu.wait_indirect_dma semaphore(%run_scoped3A_202 : memref<!tpu.dma_semaphore, #tpu.memory_space<semaphore_mem>>) src(%arg13 : memref<128x64xf32, #tpu.memory_space<vmem>>) dst(%dma_wait3A_214 : memref<10240x64xf32, #tpu.memory_space<vmem_shared>>)
        tpu.yield
      }) : () -> ()
      %add3A_194 = arith.constant 4 : i32
      %add3A_195 = arith.addi %add3A_178, %add3A_194 : i32
      %lt3A_196 = arith.constant 160 : i32
      %lt3A_197 = arith.cmpi slt, %add3A_195, %lt3A_196 : i32
      %convert_element_type3A_198 = arith.extui %lt3A_197 : i1 to i32
      %cond3A_199 = arith.constant 0 : i32
      %cond3A_200 = arith.cmpi ne, %convert_element_type3A_198, %cond3A_199 : i32
      scf.if %cond3A_200 {
        %add3A_202 = arith.constant 4 : i32
        %add3A_203 = arith.addi %add3A_178, %add3A_202 : i32
        %dma_start3A_204 = arith.constant 0 : i32
        %dma_start3A_205 = arith.constant 0 : i32
        %dma_start3A_206 = tpu.memref_slice %arg3[%arg1, %add3A_203, %dma_start3A_204, %dma_start3A_205] : memref<16x160x2x128xi32, #tpu.memory_space<hbm>> -> memref<1x1x2x128xi32, #tpu.memory_space<hbm>>
        %dma_start3A_207 = tpu.memref_squeeze %dma_start3A_206 : memref<1x1x2x128xi32, #tpu.memory_space<hbm>> -> memref<2x128xi32, #tpu.memory_space<hbm>>
        %dma_start3A_208 = arith.constant 0 : i32
        %dma_start3A_209 = arith.constant 0 : i32
        %dma_start3A_210 = tpu.memref_slice %arg3[%arg1, %add3A_203, %dma_start3A_208, %dma_start3A_209] : memref<16x160x2x128xi32, #tpu.memory_space<hbm>> -> memref<1x1x2x128xi32, #tpu.memory_space<hbm>>
        %dma_start3A_211 = tpu.memref_squeeze %dma_start3A_210 : memref<1x1x2x128xi32, #tpu.memory_space<hbm>> -> memref<2x128xi32, #tpu.memory_space<hbm>>
        tpu.enqueue_dma source(%dma_start3A_211 : memref<2x128xi32, #tpu.memory_space<hbm>>) target(%arg9 : memref<2x128xi32, #tpu.memory_space<vmem>>) target_semaphore(%arg23 : memref<!tpu.dma_semaphore, #tpu.memory_space<semaphore_mem>>)
      } else {
      }
      %scan3A_201 = arith.constant 0 : i32
      scf.yield %scan3A_201 : i32
    }
    %scan3A_94 = arith.constant 40 : i32
    %barrier3A_95 = arith.constant 0 : index
    tpu.barrier barrier_id(%barrier3A_95)
    %mul3A_96 = arith.constant 640 : i32
    %mul3A_97 = arith.muli %arg1, %mul3A_96 : i32
    %mul3A_98 = arith.constant 640 : i32
    %mul3A_99 = arith.muli %arg1, %mul3A_98 : i32
    "tpu.region"() ({
      %run_scoped3A = tpu.sem_alloc : memref<!tpu.dma_semaphore, #tpu.memory_space<semaphore_mem>>
      %dma_start3A_100 = arith.constant 0 : i32
      %dma_start3A_101 = tpu.memref_slice %arg5[%arg0, %mul3A_99, %dma_start3A_100] : memref<2x10240x64xf32, #tpu.memory_space<hbm>> -> memref<1x640x64xf32, #tpu.memory_space<hbm>>
      %dma_start3A_102 = tpu.memref_squeeze %dma_start3A_101 : memref<1x640x64xf32, #tpu.memory_space<hbm>> -> memref<640x64xf32, #tpu.memory_space<hbm>>
      %dma_start3A_103 = arith.constant 0 : i32
      %dma_start3A_104 = tpu.memref_slice %arg15[%mul3A_97, %dma_start3A_103] : memref<10240x64xf32, #tpu.memory_space<vmem_shared>> -> memref<640x64xf32, #tpu.memory_space<vmem_shared>>
      tpu.enqueue_dma source(%dma_start3A_104 : memref<640x64xf32, #tpu.memory_space<vmem_shared>>) target(%dma_start3A_102 : memref<640x64xf32, #tpu.memory_space<hbm>>) target_semaphore(%run_scoped3A : memref<!tpu.dma_semaphore, #tpu.memory_space<semaphore_mem>>)
      %dma_wait3A_105 = arith.constant 0 : i32
      %dma_wait3A_106 = tpu.memref_slice %arg5[%arg0, %mul3A_99, %dma_wait3A_105] : memref<2x10240x64xf32, #tpu.memory_space<hbm>> -> memref<1x640x64xf32, #tpu.memory_space<hbm>>
      %dma_wait3A_107 = tpu.memref_squeeze %dma_wait3A_106 : memref<1x640x64xf32, #tpu.memory_space<hbm>> -> memref<640x64xf32, #tpu.memory_space<hbm>>
      %dma_wait3A_108 = arith.constant 0 : i32
      %dma_wait3A_109 = tpu.memref_slice %arg15[%mul3A_97, %dma_wait3A_108] : memref<10240x64xf32, #tpu.memory_space<vmem_shared>> -> memref<640x64xf32, #tpu.memory_space<vmem_shared>>
      tpu.wait_dma2 semaphore(%run_scoped3A : memref<!tpu.dma_semaphore, #tpu.memory_space<semaphore_mem>>) src(%dma_wait3A_109 : memref<640x64xf32, #tpu.memory_space<vmem_shared>>) dst(%dma_wait3A_107 : memref<640x64xf32, #tpu.memory_space<hbm>>)
      tpu.yield
    }) : () -> ()
    return
  }
}

#map = affine_map<(d0, d1) -> (0, 0, 0)>
#map1 = affine_map<(d0, d1) -> (0, 0, 0, 0)>
#map2 = affine_map<(d0, d1) -> (0, 0)>
module attributes {stable_mosaic.version = 14 : i64} {
  func.func @_edge_body(%arg0: i32, %arg1: i32, %arg2: memref<2x10240x32xf32, #tpu.memory_space<hbm>>, %arg3: memref<16x160x2x128xi32, #tpu.memory_space<hbm>>, %arg4: memref<10240x32xf32, #tpu.memory_space<hbm>>, %arg5: memref<2x10240x32xf32, #tpu.memory_space<hbm>>, %arg6: memref<2x128xi32, #tpu.memory_space<vmem>>, %arg7: memref<2x128xi32, #tpu.memory_space<vmem>>, %arg8: memref<2x128xi32, #tpu.memory_space<vmem>>, %arg9: memref<2x128xi32, #tpu.memory_space<vmem>>, %arg10: memref<128x32xf32, #tpu.memory_space<vmem>>, %arg11: memref<128x32xf32, #tpu.memory_space<vmem>>, %arg12: memref<128x32xf32, #tpu.memory_space<vmem>>, %arg13: memref<128x32xf32, #tpu.memory_space<vmem>>, %arg14: memref<10240x32xf32, #tpu.memory_space<vmem_shared>>, %arg15: memref<10240x32xf32, #tpu.memory_space<vmem_shared>>, %arg16: memref<!tpu.dma_semaphore, #tpu.memory_space<semaphore_mem>>, %arg17: memref<!tpu.dma_semaphore, #tpu.memory_space<semaphore_mem>>, %arg18: memref<!tpu.dma_semaphore, #tpu.memory_space<semaphore_mem>>, %arg19: memref<!tpu.dma_semaphore, #tpu.memory_space<semaphore_mem>>, %arg20: memref<!tpu.dma_semaphore, #tpu.memory_space<semaphore_mem>>, %arg21: memref<!tpu.dma_semaphore, #tpu.memory_space<semaphore_mem>>, %arg22: memref<!tpu.dma_semaphore, #tpu.memory_space<semaphore_mem>>, %arg23: memref<!tpu.dma_semaphore, #tpu.memory_space<semaphore_mem>>) attributes {dimension_semantics = [#tpu.dimension_semantics<core_parallel>, #tpu.dimension_semantics<subcore_parallel>], iteration_bounds = array<i64: 2, 16>, scalar_prefetch = 0 : i64, scratch_operands = 18 : i64, tpu.core_type = #tpu.core_type<sc_vector_subcore>, window_params = [{transform_indices = #map}, {transform_indices = #map1}, {transform_indices = #map2}, {transform_indices = #map}]} {
    %mul3A = arith.constant 640 : i32
    %mul3A_0 = arith.muli %arg1, %mul3A : i32
    %mul3A_1 = arith.constant 640 : i32
    %mul3A_2 = arith.muli %arg1, %mul3A_1 : i32
    "tpu.region"() ({
      %run_scoped3A = tpu.sem_alloc : memref<!tpu.dma_semaphore, #tpu.memory_space<semaphore_mem>>
      %dma_start3A_100 = arith.constant 0 : i32
      %dma_start3A_101 = tpu.memref_slice %arg14[%mul3A_2, %dma_start3A_100] : memref<10240x32xf32, #tpu.memory_space<vmem_shared>> -> memref<640x32xf32, #tpu.memory_space<vmem_shared>>
      %dma_start3A_102 = arith.constant 0 : i32
      %dma_start3A_103 = tpu.memref_slice %arg2[%arg0, %mul3A_0, %dma_start3A_102] : memref<2x10240x32xf32, #tpu.memory_space<hbm>> -> memref<1x640x32xf32, #tpu.memory_space<hbm>>
      %dma_start3A_104 = tpu.memref_squeeze %dma_start3A_103 : memref<1x640x32xf32, #tpu.memory_space<hbm>> -> memref<640x32xf32, #tpu.memory_space<hbm>>
      tpu.enqueue_dma source(%dma_start3A_104 : memref<640x32xf32, #tpu.memory_space<hbm>>) target(%dma_start3A_101 : memref<640x32xf32, #tpu.memory_space<vmem_shared>>) target_semaphore(%run_scoped3A : memref<!tpu.dma_semaphore, #tpu.memory_space<semaphore_mem>>)
      %dma_wait3A_105 = arith.constant 0 : i32
      %dma_wait3A_106 = tpu.memref_slice %arg14[%mul3A_2, %dma_wait3A_105] : memref<10240x32xf32, #tpu.memory_space<vmem_shared>> -> memref<640x32xf32, #tpu.memory_space<vmem_shared>>
      %dma_wait3A_107 = arith.constant 0 : i32
      %dma_wait3A_108 = tpu.memref_slice %arg2[%arg0, %mul3A_0, %dma_wait3A_107] : memref<2x10240x32xf32, #tpu.memory_space<hbm>> -> memref<1x640x32xf32, #tpu.memory_space<hbm>>
      %dma_wait3A_109 = tpu.memref_squeeze %dma_wait3A_108 : memref<1x640x32xf32, #tpu.memory_space<hbm>> -> memref<640x32xf32, #tpu.memory_space<hbm>>
      tpu.wait_dma2 semaphore(%run_scoped3A : memref<!tpu.dma_semaphore, #tpu.memory_space<semaphore_mem>>) src(%dma_wait3A_109 : memref<640x32xf32, #tpu.memory_space<hbm>>) dst(%dma_wait3A_106 : memref<640x32xf32, #tpu.memory_space<vmem_shared>>)
      tpu.yield
    }) : () -> ()
    %mul3A_3 = arith.constant 640 : i32
    %mul3A_4 = arith.muli %arg1, %mul3A_3 : i32
    %mul3A_5 = arith.constant 640 : i32
    %mul3A_6 = arith.muli %arg1, %mul3A_5 : i32
    "tpu.region"() ({
      %run_scoped3A = tpu.sem_alloc : memref<!tpu.dma_semaphore, #tpu.memory_space<semaphore_mem>>
      %dma_start3A_100 = arith.constant 0 : i32
      %dma_start3A_101 = tpu.memref_slice %arg15[%mul3A_6, %dma_start3A_100] : memref<10240x32xf32, #tpu.memory_space<vmem_shared>> -> memref<640x32xf32, #tpu.memory_space<vmem_shared>>
      %dma_start3A_102 = arith.constant 0 : i32
      %dma_start3A_103 = tpu.memref_slice %arg4[%mul3A_4, %dma_start3A_102] : memref<10240x32xf32, #tpu.memory_space<hbm>> -> memref<640x32xf32, #tpu.memory_space<hbm>>
      tpu.enqueue_dma source(%dma_start3A_103 : memref<640x32xf32, #tpu.memory_space<hbm>>) target(%dma_start3A_101 : memref<640x32xf32, #tpu.memory_space<vmem_shared>>) target_semaphore(%run_scoped3A : memref<!tpu.dma_semaphore, #tpu.memory_space<semaphore_mem>>)
      %dma_wait3A_104 = arith.constant 0 : i32
      %dma_wait3A_105 = tpu.memref_slice %arg15[%mul3A_6, %dma_wait3A_104] : memref<10240x32xf32, #tpu.memory_space<vmem_shared>> -> memref<640x32xf32, #tpu.memory_space<vmem_shared>>
      %dma_wait3A_106 = arith.constant 0 : i32
      %dma_wait3A_107 = tpu.memref_slice %arg4[%mul3A_4, %dma_wait3A_106] : memref<10240x32xf32, #tpu.memory_space<hbm>> -> memref<640x32xf32, #tpu.memory_space<hbm>>
      tpu.wait_dma2 semaphore(%run_scoped3A : memref<!tpu.dma_semaphore, #tpu.memory_space<semaphore_mem>>) src(%dma_wait3A_107 : memref<640x32xf32, #tpu.memory_space<hbm>>) dst(%dma_wait3A_105 : memref<640x32xf32, #tpu.memory_space<vmem_shared>>)
      tpu.yield
    }) : () -> ()
    %barrier3A = arith.constant 0 : index
    tpu.barrier barrier_id(%barrier3A)
    %dma_start3A = arith.constant 0 : i32
    %dma_start3A_7 = arith.constant 0 : i32
    %dma_start3A_8 = arith.constant 0 : i32
    %dma_start3A_9 = tpu.memref_slice %arg3[%arg1, %dma_start3A, %dma_start3A_7, %dma_start3A_8] : memref<16x160x2x128xi32, #tpu.memory_space<hbm>> -> memref<1x1x2x128xi32, #tpu.memory_space<hbm>>
    %dma_start3A_10 = tpu.memref_squeeze %dma_start3A_9 : memref<1x1x2x128xi32, #tpu.memory_space<hbm>> -> memref<2x128xi32, #tpu.memory_space<hbm>>
    %dma_start3A_11 = arith.constant 0 : i32
    %dma_start3A_12 = arith.constant 0 : i32
    %dma_start3A_13 = tpu.memref_slice %arg3[%arg1, %dma_start3A, %dma_start3A_11, %dma_start3A_12] : memref<16x160x2x128xi32, #tpu.memory_space<hbm>> -> memref<1x1x2x128xi32, #tpu.memory_space<hbm>>
    %dma_start3A_14 = tpu.memref_squeeze %dma_start3A_13 : memref<1x1x2x128xi32, #tpu.memory_space<hbm>> -> memref<2x128xi32, #tpu.memory_space<hbm>>
    tpu.enqueue_dma source(%dma_start3A_14 : memref<2x128xi32, #tpu.memory_space<hbm>>) target(%arg6 : memref<2x128xi32, #tpu.memory_space<vmem>>) target_semaphore(%arg20 : memref<!tpu.dma_semaphore, #tpu.memory_space<semaphore_mem>>)
    %dma_start3A_15 = arith.constant 1 : i32
    %dma_start3A_16 = arith.constant 0 : i32
    %dma_start3A_17 = arith.constant 0 : i32
    %dma_start3A_18 = tpu.memref_slice %arg3[%arg1, %dma_start3A_15, %dma_start3A_16, %dma_start3A_17] : memref<16x160x2x128xi32, #tpu.memory_space<hbm>> -> memref<1x1x2x128xi32, #tpu.memory_space<hbm>>
    %dma_start3A_19 = tpu.memref_squeeze %dma_start3A_18 : memref<1x1x2x128xi32, #tpu.memory_space<hbm>> -> memref<2x128xi32, #tpu.memory_space<hbm>>
    %dma_start3A_20 = arith.constant 0 : i32
    %dma_start3A_21 = arith.constant 0 : i32
    %dma_start3A_22 = tpu.memref_slice %arg3[%arg1, %dma_start3A_15, %dma_start3A_20, %dma_start3A_21] : memref<16x160x2x128xi32, #tpu.memory_space<hbm>> -> memref<1x1x2x128xi32, #tpu.memory_space<hbm>>
    %dma_start3A_23 = tpu.memref_squeeze %dma_start3A_22 : memref<1x1x2x128xi32, #tpu.memory_space<hbm>> -> memref<2x128xi32, #tpu.memory_space<hbm>>
    tpu.enqueue_dma source(%dma_start3A_23 : memref<2x128xi32, #tpu.memory_space<hbm>>) target(%arg7 : memref<2x128xi32, #tpu.memory_space<vmem>>) target_semaphore(%arg21 : memref<!tpu.dma_semaphore, #tpu.memory_space<semaphore_mem>>)
    %dma_start3A_24 = arith.constant 2 : i32
    %dma_start3A_25 = arith.constant 0 : i32
    %dma_start3A_26 = arith.constant 0 : i32
    %dma_start3A_27 = tpu.memref_slice %arg3[%arg1, %dma_start3A_24, %dma_start3A_25, %dma_start3A_26] : memref<16x160x2x128xi32, #tpu.memory_space<hbm>> -> memref<1x1x2x128xi32, #tpu.memory_space<hbm>>
    %dma_start3A_28 = tpu.memref_squeeze %dma_start3A_27 : memref<1x1x2x128xi32, #tpu.memory_space<hbm>> -> memref<2x128xi32, #tpu.memory_space<hbm>>
    %dma_start3A_29 = arith.constant 0 : i32
    %dma_start3A_30 = arith.constant 0 : i32
    %dma_start3A_31 = tpu.memref_slice %arg3[%arg1, %dma_start3A_24, %dma_start3A_29, %dma_start3A_30] : memref<16x160x2x128xi32, #tpu.memory_space<hbm>> -> memref<1x1x2x128xi32, #tpu.memory_space<hbm>>
    %dma_start3A_32 = tpu.memref_squeeze %dma_start3A_31 : memref<1x1x2x128xi32, #tpu.memory_space<hbm>> -> memref<2x128xi32, #tpu.memory_space<hbm>>
    tpu.enqueue_dma source(%dma_start3A_32 : memref<2x128xi32, #tpu.memory_space<hbm>>) target(%arg8 : memref<2x128xi32, #tpu.memory_space<vmem>>) target_semaphore(%arg22 : memref<!tpu.dma_semaphore, #tpu.memory_space<semaphore_mem>>)
    %dma_start3A_33 = arith.constant 3 : i32
    %dma_start3A_34 = arith.constant 0 : i32
    %dma_start3A_35 = arith.constant 0 : i32
    %dma_start3A_36 = tpu.memref_slice %arg3[%arg1, %dma_start3A_33, %dma_start3A_34, %dma_start3A_35] : memref<16x160x2x128xi32, #tpu.memory_space<hbm>> -> memref<1x1x2x128xi32, #tpu.memory_space<hbm>>
    %dma_start3A_37 = tpu.memref_squeeze %dma_start3A_36 : memref<1x1x2x128xi32, #tpu.memory_space<hbm>> -> memref<2x128xi32, #tpu.memory_space<hbm>>
    %dma_start3A_38 = arith.constant 0 : i32
    %dma_start3A_39 = arith.constant 0 : i32
    %dma_start3A_40 = tpu.memref_slice %arg3[%arg1, %dma_start3A_33, %dma_start3A_38, %dma_start3A_39] : memref<16x160x2x128xi32, #tpu.memory_space<hbm>> -> memref<1x1x2x128xi32, #tpu.memory_space<hbm>>
    %dma_start3A_41 = tpu.memref_squeeze %dma_start3A_40 : memref<1x1x2x128xi32, #tpu.memory_space<hbm>> -> memref<2x128xi32, #tpu.memory_space<hbm>>
    tpu.enqueue_dma source(%dma_start3A_41 : memref<2x128xi32, #tpu.memory_space<hbm>>) target(%arg9 : memref<2x128xi32, #tpu.memory_space<vmem>>) target_semaphore(%arg23 : memref<!tpu.dma_semaphore, #tpu.memory_space<semaphore_mem>>)
    %dma_wait3A = arith.constant 0 : i32
    %dma_wait3A_42 = arith.constant 0 : i32
    %dma_wait3A_43 = arith.constant 0 : i32
    %dma_wait3A_44 = tpu.memref_slice %arg3[%arg1, %dma_wait3A, %dma_wait3A_42, %dma_wait3A_43] : memref<16x160x2x128xi32, #tpu.memory_space<hbm>> -> memref<1x1x2x128xi32, #tpu.memory_space<hbm>>
    %dma_wait3A_45 = tpu.memref_squeeze %dma_wait3A_44 : memref<1x1x2x128xi32, #tpu.memory_space<hbm>> -> memref<2x128xi32, #tpu.memory_space<hbm>>
    %dma_wait3A_46 = arith.constant 0 : i32
    %dma_wait3A_47 = arith.constant 0 : i32
    %dma_wait3A_48 = tpu.memref_slice %arg3[%arg1, %dma_wait3A, %dma_wait3A_46, %dma_wait3A_47] : memref<16x160x2x128xi32, #tpu.memory_space<hbm>> -> memref<1x1x2x128xi32, #tpu.memory_space<hbm>>
    %dma_wait3A_49 = tpu.memref_squeeze %dma_wait3A_48 : memref<1x1x2x128xi32, #tpu.memory_space<hbm>> -> memref<2x128xi32, #tpu.memory_space<hbm>>
    tpu.wait_dma2 semaphore(%arg20 : memref<!tpu.dma_semaphore, #tpu.memory_space<semaphore_mem>>) src(%dma_wait3A_49 : memref<2x128xi32, #tpu.memory_space<hbm>>) dst(%arg6 : memref<2x128xi32, #tpu.memory_space<vmem>>)
    %dma_start3A_50 = arith.constant 0 : i32
    %dma_start3A_51 = arith.constant 0 : i32
    %dma_start3A_52 = tpu.memref_slice %arg6[%dma_start3A_50, %dma_start3A_51] : memref<2x128xi32, #tpu.memory_space<vmem>> -> memref<1x128xi32, #tpu.memory_space<vmem>>
    %dma_start3A_53 = tpu.memref_squeeze %dma_start3A_52 : memref<1x128xi32, #tpu.memory_space<vmem>> -> memref<128xi32, #tpu.memory_space<vmem>>
    %dma_start3A_54 = arith.constant 0 : i32
    %dma_start3A_55 = arith.constant 0 : i32
    %dma_start3A_56 = tpu.memref_slice %arg14[%dma_start3A_54, %dma_start3A_55] : memref<10240x32xf32, #tpu.memory_space<vmem_shared>> -> memref<10240x32xf32, #tpu.memory_space<vmem_shared>>
    tpu.enqueue_indirect_dma source(%dma_start3A_56 : memref<10240x32xf32, #tpu.memory_space<vmem_shared>>) target(%arg10 : memref<128x32xf32, #tpu.memory_space<vmem>>) offsets(%dma_start3A_53 : memref<128xi32, #tpu.memory_space<vmem>>) semaphore(%arg16 : memref<!tpu.dma_semaphore, #tpu.memory_space<semaphore_mem>>)
    %dma_wait3A_57 = arith.constant 1 : i32
    %dma_wait3A_58 = arith.constant 0 : i32
    %dma_wait3A_59 = arith.constant 0 : i32
    %dma_wait3A_60 = tpu.memref_slice %arg3[%arg1, %dma_wait3A_57, %dma_wait3A_58, %dma_wait3A_59] : memref<16x160x2x128xi32, #tpu.memory_space<hbm>> -> memref<1x1x2x128xi32, #tpu.memory_space<hbm>>
    %dma_wait3A_61 = tpu.memref_squeeze %dma_wait3A_60 : memref<1x1x2x128xi32, #tpu.memory_space<hbm>> -> memref<2x128xi32, #tpu.memory_space<hbm>>
    %dma_wait3A_62 = arith.constant 0 : i32
    %dma_wait3A_63 = arith.constant 0 : i32
    %dma_wait3A_64 = tpu.memref_slice %arg3[%arg1, %dma_wait3A_57, %dma_wait3A_62, %dma_wait3A_63] : memref<16x160x2x128xi32, #tpu.memory_space<hbm>> -> memref<1x1x2x128xi32, #tpu.memory_space<hbm>>
    %dma_wait3A_65 = tpu.memref_squeeze %dma_wait3A_64 : memref<1x1x2x128xi32, #tpu.memory_space<hbm>> -> memref<2x128xi32, #tpu.memory_space<hbm>>
    tpu.wait_dma2 semaphore(%arg21 : memref<!tpu.dma_semaphore, #tpu.memory_space<semaphore_mem>>) src(%dma_wait3A_65 : memref<2x128xi32, #tpu.memory_space<hbm>>) dst(%arg7 : memref<2x128xi32, #tpu.memory_space<vmem>>)
    %dma_start3A_66 = arith.constant 0 : i32
    %dma_start3A_67 = arith.constant 0 : i32
    %dma_start3A_68 = tpu.memref_slice %arg7[%dma_start3A_66, %dma_start3A_67] : memref<2x128xi32, #tpu.memory_space<vmem>> -> memref<1x128xi32, #tpu.memory_space<vmem>>
    %dma_start3A_69 = tpu.memref_squeeze %dma_start3A_68 : memref<1x128xi32, #tpu.memory_space<vmem>> -> memref<128xi32, #tpu.memory_space<vmem>>
    %dma_start3A_70 = arith.constant 0 : i32
    %dma_start3A_71 = arith.constant 0 : i32
    %dma_start3A_72 = tpu.memref_slice %arg14[%dma_start3A_70, %dma_start3A_71] : memref<10240x32xf32, #tpu.memory_space<vmem_shared>> -> memref<10240x32xf32, #tpu.memory_space<vmem_shared>>
    tpu.enqueue_indirect_dma source(%dma_start3A_72 : memref<10240x32xf32, #tpu.memory_space<vmem_shared>>) target(%arg11 : memref<128x32xf32, #tpu.memory_space<vmem>>) offsets(%dma_start3A_69 : memref<128xi32, #tpu.memory_space<vmem>>) semaphore(%arg17 : memref<!tpu.dma_semaphore, #tpu.memory_space<semaphore_mem>>)
    %dma_wait3A_73 = arith.constant 2 : i32
    %dma_wait3A_74 = arith.constant 0 : i32
    %dma_wait3A_75 = arith.constant 0 : i32
    %dma_wait3A_76 = tpu.memref_slice %arg3[%arg1, %dma_wait3A_73, %dma_wait3A_74, %dma_wait3A_75] : memref<16x160x2x128xi32, #tpu.memory_space<hbm>> -> memref<1x1x2x128xi32, #tpu.memory_space<hbm>>
    %dma_wait3A_77 = tpu.memref_squeeze %dma_wait3A_76 : memref<1x1x2x128xi32, #tpu.memory_space<hbm>> -> memref<2x128xi32, #tpu.memory_space<hbm>>
    %dma_wait3A_78 = arith.constant 0 : i32
    %dma_wait3A_79 = arith.constant 0 : i32
    %dma_wait3A_80 = tpu.memref_slice %arg3[%arg1, %dma_wait3A_73, %dma_wait3A_78, %dma_wait3A_79] : memref<16x160x2x128xi32, #tpu.memory_space<hbm>> -> memref<1x1x2x128xi32, #tpu.memory_space<hbm>>
    %dma_wait3A_81 = tpu.memref_squeeze %dma_wait3A_80 : memref<1x1x2x128xi32, #tpu.memory_space<hbm>> -> memref<2x128xi32, #tpu.memory_space<hbm>>
    tpu.wait_dma2 semaphore(%arg22 : memref<!tpu.dma_semaphore, #tpu.memory_space<semaphore_mem>>) src(%dma_wait3A_81 : memref<2x128xi32, #tpu.memory_space<hbm>>) dst(%arg8 : memref<2x128xi32, #tpu.memory_space<vmem>>)
    %dma_start3A_82 = arith.constant 0 : i32
    %dma_start3A_83 = arith.constant 0 : i32
    %dma_start3A_84 = tpu.memref_slice %arg8[%dma_start3A_82, %dma_start3A_83] : memref<2x128xi32, #tpu.memory_space<vmem>> -> memref<1x128xi32, #tpu.memory_space<vmem>>
    %dma_start3A_85 = tpu.memref_squeeze %dma_start3A_84 : memref<1x128xi32, #tpu.memory_space<vmem>> -> memref<128xi32, #tpu.memory_space<vmem>>
    %dma_start3A_86 = arith.constant 0 : i32
    %dma_start3A_87 = arith.constant 0 : i32
    %dma_start3A_88 = tpu.memref_slice %arg14[%dma_start3A_86, %dma_start3A_87] : memref<10240x32xf32, #tpu.memory_space<vmem_shared>> -> memref<10240x32xf32, #tpu.memory_space<vmem_shared>>
    tpu.enqueue_indirect_dma source(%dma_start3A_88 : memref<10240x32xf32, #tpu.memory_space<vmem_shared>>) target(%arg12 : memref<128x32xf32, #tpu.memory_space<vmem>>) offsets(%dma_start3A_85 : memref<128xi32, #tpu.memory_space<vmem>>) semaphore(%arg18 : memref<!tpu.dma_semaphore, #tpu.memory_space<semaphore_mem>>)
    %scan3A = arith.constant 0 : i32
    %scan3A_89 = arith.constant 0 : i32
    %scan3A_90 = arith.constant 40 : i32
    %scan3A_91 = arith.addi %scan3A_89, %scan3A_90 : i32
    %scan3A_92 = arith.constant 1 : i32
    %scan3A_93 = scf.for %scan3A_100 = %scan3A_89 to %scan3A_91 step %scan3A_92 iter_args(%scan3A_101 = %scan3A) -> (i32)  : i32 {
      %mul3A_102 = arith.constant 4 : i32
      %mul3A_103 = arith.muli %scan3A_100, %mul3A_102 : i32
      %add3A = arith.constant 0 : i32
      %add3A_104 = arith.addi %mul3A_103, %add3A : i32
      %add3A_105 = arith.constant 3 : i32
      %add3A_106 = arith.addi %add3A_104, %add3A_105 : i32
      %lt3A = arith.constant 160 : i32
      %lt3A_107 = arith.cmpi slt, %add3A_106, %lt3A : i32
      %convert_element_type3A = arith.extui %lt3A_107 : i1 to i32
      %cond3A = arith.constant 0 : i32
      %cond3A_108 = arith.cmpi ne, %convert_element_type3A, %cond3A : i32
      scf.if %cond3A_108 {
        %add3A_202 = arith.constant 3 : i32
        %add3A_203 = arith.addi %add3A_104, %add3A_202 : i32
        %dma_wait3A_204 = arith.constant 0 : i32
        %dma_wait3A_205 = arith.constant 0 : i32
        %dma_wait3A_206 = tpu.memref_slice %arg3[%arg1, %add3A_203, %dma_wait3A_204, %dma_wait3A_205] : memref<16x160x2x128xi32, #tpu.memory_space<hbm>> -> memref<1x1x2x128xi32, #tpu.memory_space<hbm>>
        %dma_wait3A_207 = tpu.memref_squeeze %dma_wait3A_206 : memref<1x1x2x128xi32, #tpu.memory_space<hbm>> -> memref<2x128xi32, #tpu.memory_space<hbm>>
        %dma_wait3A_208 = arith.constant 0 : i32
        %dma_wait3A_209 = arith.constant 0 : i32
        %dma_wait3A_210 = tpu.memref_slice %arg3[%arg1, %add3A_203, %dma_wait3A_208, %dma_wait3A_209] : memref<16x160x2x128xi32, #tpu.memory_space<hbm>> -> memref<1x1x2x128xi32, #tpu.memory_space<hbm>>
        %dma_wait3A_211 = tpu.memref_squeeze %dma_wait3A_210 : memref<1x1x2x128xi32, #tpu.memory_space<hbm>> -> memref<2x128xi32, #tpu.memory_space<hbm>>
        tpu.wait_dma2 semaphore(%arg23 : memref<!tpu.dma_semaphore, #tpu.memory_space<semaphore_mem>>) src(%dma_wait3A_211 : memref<2x128xi32, #tpu.memory_space<hbm>>) dst(%arg9 : memref<2x128xi32, #tpu.memory_space<vmem>>)
        %dma_start3A_212 = arith.constant 0 : i32
        %dma_start3A_213 = arith.constant 0 : i32
        %dma_start3A_214 = tpu.memref_slice %arg9[%dma_start3A_212, %dma_start3A_213] : memref<2x128xi32, #tpu.memory_space<vmem>> -> memref<1x128xi32, #tpu.memory_space<vmem>>
        %dma_start3A_215 = tpu.memref_squeeze %dma_start3A_214 : memref<1x128xi32, #tpu.memory_space<vmem>> -> memref<128xi32, #tpu.memory_space<vmem>>
        %dma_start3A_216 = arith.constant 0 : i32
        %dma_start3A_217 = arith.constant 0 : i32
        %dma_start3A_218 = tpu.memref_slice %arg14[%dma_start3A_216, %dma_start3A_217] : memref<10240x32xf32, #tpu.memory_space<vmem_shared>> -> memref<10240x32xf32, #tpu.memory_space<vmem_shared>>
        tpu.enqueue_indirect_dma source(%dma_start3A_218 : memref<10240x32xf32, #tpu.memory_space<vmem_shared>>) target(%arg13 : memref<128x32xf32, #tpu.memory_space<vmem>>) offsets(%dma_start3A_215 : memref<128xi32, #tpu.memory_space<vmem>>) semaphore(%arg19 : memref<!tpu.dma_semaphore, #tpu.memory_space<semaphore_mem>>)
      } else {
      }
      %dma_wait3A_109 = arith.constant 0 : i32
      %dma_wait3A_110 = arith.constant 0 : i32
      %dma_wait3A_111 = tpu.memref_slice %arg6[%dma_wait3A_109, %dma_wait3A_110] : memref<2x128xi32, #tpu.memory_space<vmem>> -> memref<1x128xi32, #tpu.memory_space<vmem>>
      %dma_wait3A_112 = tpu.memref_squeeze %dma_wait3A_111 : memref<1x128xi32, #tpu.memory_space<vmem>> -> memref<128xi32, #tpu.memory_space<vmem>>
      %dma_wait3A_113 = arith.constant 0 : i32
      %dma_wait3A_114 = arith.constant 0 : i32
      %dma_wait3A_115 = tpu.memref_slice %arg14[%dma_wait3A_113, %dma_wait3A_114] : memref<10240x32xf32, #tpu.memory_space<vmem_shared>> -> memref<10240x32xf32, #tpu.memory_space<vmem_shared>>
      tpu.wait_indirect_dma semaphore(%arg16 : memref<!tpu.dma_semaphore, #tpu.memory_space<semaphore_mem>>) src(%dma_wait3A_115 : memref<10240x32xf32, #tpu.memory_space<vmem_shared>>) dst(%arg10 : memref<128x32xf32, #tpu.memory_space<vmem>>)
      %run_scoped3A = arith.constant 1 : i32
      "tpu.region"() ({
        %run_scoped3A_202 = tpu.sem_alloc : memref<!tpu.dma_semaphore, #tpu.memory_space<semaphore_mem>>
        %dma_start3A_203 = arith.constant 0 : i32
        %dma_start3A_204 = tpu.memref_slice %arg6[%run_scoped3A, %dma_start3A_203] : memref<2x128xi32, #tpu.memory_space<vmem>> -> memref<1x128xi32, #tpu.memory_space<vmem>>
        %dma_start3A_205 = tpu.memref_squeeze %dma_start3A_204 : memref<1x128xi32, #tpu.memory_space<vmem>> -> memref<128xi32, #tpu.memory_space<vmem>>
        %dma_start3A_206 = arith.constant 0 : i32
        %dma_start3A_207 = arith.constant 0 : i32
        %dma_start3A_208 = tpu.memref_slice %arg15[%dma_start3A_206, %dma_start3A_207] : memref<10240x32xf32, #tpu.memory_space<vmem_shared>> -> memref<10240x32xf32, #tpu.memory_space<vmem_shared>>
        tpu.enqueue_indirect_dma source(%arg10 : memref<128x32xf32, #tpu.memory_space<vmem>>) target(%dma_start3A_208 : memref<10240x32xf32, #tpu.memory_space<vmem_shared>>) offsets(%dma_start3A_205 : memref<128xi32, #tpu.memory_space<vmem>>) semaphore(%run_scoped3A_202 : memref<!tpu.dma_semaphore, #tpu.memory_space<semaphore_mem>>) {add = true}
        %dma_wait3A_209 = arith.constant 0 : i32
        %dma_wait3A_210 = tpu.memref_slice %arg6[%run_scoped3A, %dma_wait3A_209] : memref<2x128xi32, #tpu.memory_space<vmem>> -> memref<1x128xi32, #tpu.memory_space<vmem>>
        %dma_wait3A_211 = tpu.memref_squeeze %dma_wait3A_210 : memref<1x128xi32, #tpu.memory_space<vmem>> -> memref<128xi32, #tpu.memory_space<vmem>>
        %dma_wait3A_212 = arith.constant 0 : i32
        %dma_wait3A_213 = arith.constant 0 : i32
        %dma_wait3A_214 = tpu.memref_slice %arg15[%dma_wait3A_212, %dma_wait3A_213] : memref<10240x32xf32, #tpu.memory_space<vmem_shared>> -> memref<10240x32xf32, #tpu.memory_space<vmem_shared>>
        tpu.wait_indirect_dma semaphore(%run_scoped3A_202 : memref<!tpu.dma_semaphore, #tpu.memory_space<semaphore_mem>>) src(%arg10 : memref<128x32xf32, #tpu.memory_space<vmem>>) dst(%dma_wait3A_214 : memref<10240x32xf32, #tpu.memory_space<vmem_shared>>)
        tpu.yield
      }) : () -> ()
      %add3A_116 = arith.constant 4 : i32
      %add3A_117 = arith.addi %add3A_104, %add3A_116 : i32
      %lt3A_118 = arith.constant 160 : i32
      %lt3A_119 = arith.cmpi slt, %add3A_117, %lt3A_118 : i32
      %convert_element_type3A_120 = arith.extui %lt3A_119 : i1 to i32
      %cond3A_121 = arith.constant 0 : i32
      %cond3A_122 = arith.cmpi ne, %convert_element_type3A_120, %cond3A_121 : i32
      scf.if %cond3A_122 {
        %add3A_202 = arith.constant 4 : i32
        %add3A_203 = arith.addi %add3A_104, %add3A_202 : i32
        %dma_start3A_204 = arith.constant 0 : i32
        %dma_start3A_205 = arith.constant 0 : i32
        %dma_start3A_206 = tpu.memref_slice %arg3[%arg1, %add3A_203, %dma_start3A_204, %dma_start3A_205] : memref<16x160x2x128xi32, #tpu.memory_space<hbm>> -> memref<1x1x2x128xi32, #tpu.memory_space<hbm>>
        %dma_start3A_207 = tpu.memref_squeeze %dma_start3A_206 : memref<1x1x2x128xi32, #tpu.memory_space<hbm>> -> memref<2x128xi32, #tpu.memory_space<hbm>>
        %dma_start3A_208 = arith.constant 0 : i32
        %dma_start3A_209 = arith.constant 0 : i32
        %dma_start3A_210 = tpu.memref_slice %arg3[%arg1, %add3A_203, %dma_start3A_208, %dma_start3A_209] : memref<16x160x2x128xi32, #tpu.memory_space<hbm>> -> memref<1x1x2x128xi32, #tpu.memory_space<hbm>>
        %dma_start3A_211 = tpu.memref_squeeze %dma_start3A_210 : memref<1x1x2x128xi32, #tpu.memory_space<hbm>> -> memref<2x128xi32, #tpu.memory_space<hbm>>
        tpu.enqueue_dma source(%dma_start3A_211 : memref<2x128xi32, #tpu.memory_space<hbm>>) target(%arg6 : memref<2x128xi32, #tpu.memory_space<vmem>>) target_semaphore(%arg20 : memref<!tpu.dma_semaphore, #tpu.memory_space<semaphore_mem>>)
      } else {
      }
      %mul3A_123 = arith.constant 4 : i32
      %mul3A_124 = arith.muli %scan3A_100, %mul3A_123 : i32
      %add3A_125 = arith.constant 1 : i32
      %add3A_126 = arith.addi %mul3A_124, %add3A_125 : i32
      %add3A_127 = arith.constant 3 : i32
      %add3A_128 = arith.addi %add3A_126, %add3A_127 : i32
      %lt3A_129 = arith.constant 160 : i32
      %lt3A_130 = arith.cmpi slt, %add3A_128, %lt3A_129 : i32
      %convert_element_type3A_131 = arith.extui %lt3A_130 : i1 to i32
      %cond3A_132 = arith.constant 0 : i32
      %cond3A_133 = arith.cmpi ne, %convert_element_type3A_131, %cond3A_132 : i32
      scf.if %cond3A_133 {
        %add3A_202 = arith.constant 3 : i32
        %add3A_203 = arith.addi %add3A_126, %add3A_202 : i32
        %dma_wait3A_204 = arith.constant 0 : i32
        %dma_wait3A_205 = arith.constant 0 : i32
        %dma_wait3A_206 = tpu.memref_slice %arg3[%arg1, %add3A_203, %dma_wait3A_204, %dma_wait3A_205] : memref<16x160x2x128xi32, #tpu.memory_space<hbm>> -> memref<1x1x2x128xi32, #tpu.memory_space<hbm>>
        %dma_wait3A_207 = tpu.memref_squeeze %dma_wait3A_206 : memref<1x1x2x128xi32, #tpu.memory_space<hbm>> -> memref<2x128xi32, #tpu.memory_space<hbm>>
        %dma_wait3A_208 = arith.constant 0 : i32
        %dma_wait3A_209 = arith.constant 0 : i32
        %dma_wait3A_210 = tpu.memref_slice %arg3[%arg1, %add3A_203, %dma_wait3A_208, %dma_wait3A_209] : memref<16x160x2x128xi32, #tpu.memory_space<hbm>> -> memref<1x1x2x128xi32, #tpu.memory_space<hbm>>
        %dma_wait3A_211 = tpu.memref_squeeze %dma_wait3A_210 : memref<1x1x2x128xi32, #tpu.memory_space<hbm>> -> memref<2x128xi32, #tpu.memory_space<hbm>>
        tpu.wait_dma2 semaphore(%arg20 : memref<!tpu.dma_semaphore, #tpu.memory_space<semaphore_mem>>) src(%dma_wait3A_211 : memref<2x128xi32, #tpu.memory_space<hbm>>) dst(%arg6 : memref<2x128xi32, #tpu.memory_space<vmem>>)
        %dma_start3A_212 = arith.constant 0 : i32
        %dma_start3A_213 = arith.constant 0 : i32
        %dma_start3A_214 = tpu.memref_slice %arg6[%dma_start3A_212, %dma_start3A_213] : memref<2x128xi32, #tpu.memory_space<vmem>> -> memref<1x128xi32, #tpu.memory_space<vmem>>
        %dma_start3A_215 = tpu.memref_squeeze %dma_start3A_214 : memref<1x128xi32, #tpu.memory_space<vmem>> -> memref<128xi32, #tpu.memory_space<vmem>>
        %dma_start3A_216 = arith.constant 0 : i32
        %dma_start3A_217 = arith.constant 0 : i32
        %dma_start3A_218 = tpu.memref_slice %arg14[%dma_start3A_216, %dma_start3A_217] : memref<10240x32xf32, #tpu.memory_space<vmem_shared>> -> memref<10240x32xf32, #tpu.memory_space<vmem_shared>>
        tpu.enqueue_indirect_dma source(%dma_start3A_218 : memref<10240x32xf32, #tpu.memory_space<vmem_shared>>) target(%arg10 : memref<128x32xf32, #tpu.memory_space<vmem>>) offsets(%dma_start3A_215 : memref<128xi32, #tpu.memory_space<vmem>>) semaphore(%arg16 : memref<!tpu.dma_semaphore, #tpu.memory_space<semaphore_mem>>)
      } else {
      }
      %dma_wait3A_134 = arith.constant 0 : i32
      %dma_wait3A_135 = arith.constant 0 : i32
      %dma_wait3A_136 = tpu.memref_slice %arg7[%dma_wait3A_134, %dma_wait3A_135] : memref<2x128xi32, #tpu.memory_space<vmem>> -> memref<1x128xi32, #tpu.memory_space<vmem>>
      %dma_wait3A_137 = tpu.memref_squeeze %dma_wait3A_136 : memref<1x128xi32, #tpu.memory_space<vmem>> -> memref<128xi32, #tpu.memory_space<vmem>>
      %dma_wait3A_138 = arith.constant 0 : i32
      %dma_wait3A_139 = arith.constant 0 : i32
      %dma_wait3A_140 = tpu.memref_slice %arg14[%dma_wait3A_138, %dma_wait3A_139] : memref<10240x32xf32, #tpu.memory_space<vmem_shared>> -> memref<10240x32xf32, #tpu.memory_space<vmem_shared>>
      tpu.wait_indirect_dma semaphore(%arg17 : memref<!tpu.dma_semaphore, #tpu.memory_space<semaphore_mem>>) src(%dma_wait3A_140 : memref<10240x32xf32, #tpu.memory_space<vmem_shared>>) dst(%arg11 : memref<128x32xf32, #tpu.memory_space<vmem>>)
      %run_scoped3A_141 = arith.constant 1 : i32
      "tpu.region"() ({
        %run_scoped3A_202 = tpu.sem_alloc : memref<!tpu.dma_semaphore, #tpu.memory_space<semaphore_mem>>
        %dma_start3A_203 = arith.constant 0 : i32
        %dma_start3A_204 = tpu.memref_slice %arg7[%run_scoped3A_141, %dma_start3A_203] : memref<2x128xi32, #tpu.memory_space<vmem>> -> memref<1x128xi32, #tpu.memory_space<vmem>>
        %dma_start3A_205 = tpu.memref_squeeze %dma_start3A_204 : memref<1x128xi32, #tpu.memory_space<vmem>> -> memref<128xi32, #tpu.memory_space<vmem>>
        %dma_start3A_206 = arith.constant 0 : i32
        %dma_start3A_207 = arith.constant 0 : i32
        %dma_start3A_208 = tpu.memref_slice %arg15[%dma_start3A_206, %dma_start3A_207] : memref<10240x32xf32, #tpu.memory_space<vmem_shared>> -> memref<10240x32xf32, #tpu.memory_space<vmem_shared>>
        tpu.enqueue_indirect_dma source(%arg11 : memref<128x32xf32, #tpu.memory_space<vmem>>) target(%dma_start3A_208 : memref<10240x32xf32, #tpu.memory_space<vmem_shared>>) offsets(%dma_start3A_205 : memref<128xi32, #tpu.memory_space<vmem>>) semaphore(%run_scoped3A_202 : memref<!tpu.dma_semaphore, #tpu.memory_space<semaphore_mem>>) {add = true}
        %dma_wait3A_209 = arith.constant 0 : i32
        %dma_wait3A_210 = tpu.memref_slice %arg7[%run_scoped3A_141, %dma_wait3A_209] : memref<2x128xi32, #tpu.memory_space<vmem>> -> memref<1x128xi32, #tpu.memory_space<vmem>>
        %dma_wait3A_211 = tpu.memref_squeeze %dma_wait3A_210 : memref<1x128xi32, #tpu.memory_space<vmem>> -> memref<128xi32, #tpu.memory_space<vmem>>
        %dma_wait3A_212 = arith.constant 0 : i32
        %dma_wait3A_213 = arith.constant 0 : i32
        %dma_wait3A_214 = tpu.memref_slice %arg15[%dma_wait3A_212, %dma_wait3A_213] : memref<10240x32xf32, #tpu.memory_space<vmem_shared>> -> memref<10240x32xf32, #tpu.memory_space<vmem_shared>>
        tpu.wait_indirect_dma semaphore(%run_scoped3A_202 : memref<!tpu.dma_semaphore, #tpu.memory_space<semaphore_mem>>) src(%arg11 : memref<128x32xf32, #tpu.memory_space<vmem>>) dst(%dma_wait3A_214 : memref<10240x32xf32, #tpu.memory_space<vmem_shared>>)
        tpu.yield
      }) : () -> ()
      %add3A_142 = arith.constant 4 : i32
      %add3A_143 = arith.addi %add3A_126, %add3A_142 : i32
      %lt3A_144 = arith.constant 160 : i32
      %lt3A_145 = arith.cmpi slt, %add3A_143, %lt3A_144 : i32
      %convert_element_type3A_146 = arith.extui %lt3A_145 : i1 to i32
      %cond3A_147 = arith.constant 0 : i32
      %cond3A_148 = arith.cmpi ne, %convert_element_type3A_146, %cond3A_147 : i32
      scf.if %cond3A_148 {
        %add3A_202 = arith.constant 4 : i32
        %add3A_203 = arith.addi %add3A_126, %add3A_202 : i32
        %dma_start3A_204 = arith.constant 0 : i32
        %dma_start3A_205 = arith.constant 0 : i32
        %dma_start3A_206 = tpu.memref_slice %arg3[%arg1, %add3A_203, %dma_start3A_204, %dma_start3A_205] : memref<16x160x2x128xi32, #tpu.memory_space<hbm>> -> memref<1x1x2x128xi32, #tpu.memory_space<hbm>>
        %dma_start3A_207 = tpu.memref_squeeze %dma_start3A_206 : memref<1x1x2x128xi32, #tpu.memory_space<hbm>> -> memref<2x128xi32, #tpu.memory_space<hbm>>
        %dma_start3A_208 = arith.constant 0 : i32
        %dma_start3A_209 = arith.constant 0 : i32
        %dma_start3A_210 = tpu.memref_slice %arg3[%arg1, %add3A_203, %dma_start3A_208, %dma_start3A_209] : memref<16x160x2x128xi32, #tpu.memory_space<hbm>> -> memref<1x1x2x128xi32, #tpu.memory_space<hbm>>
        %dma_start3A_211 = tpu.memref_squeeze %dma_start3A_210 : memref<1x1x2x128xi32, #tpu.memory_space<hbm>> -> memref<2x128xi32, #tpu.memory_space<hbm>>
        tpu.enqueue_dma source(%dma_start3A_211 : memref<2x128xi32, #tpu.memory_space<hbm>>) target(%arg7 : memref<2x128xi32, #tpu.memory_space<vmem>>) target_semaphore(%arg21 : memref<!tpu.dma_semaphore, #tpu.memory_space<semaphore_mem>>)
      } else {
      }
      %mul3A_149 = arith.constant 4 : i32
      %mul3A_150 = arith.muli %scan3A_100, %mul3A_149 : i32
      %add3A_151 = arith.constant 2 : i32
      %add3A_152 = arith.addi %mul3A_150, %add3A_151 : i32
      %add3A_153 = arith.constant 3 : i32
      %add3A_154 = arith.addi %add3A_152, %add3A_153 : i32
      %lt3A_155 = arith.constant 160 : i32
      %lt3A_156 = arith.cmpi slt, %add3A_154, %lt3A_155 : i32
      %convert_element_type3A_157 = arith.extui %lt3A_156 : i1 to i32
      %cond3A_158 = arith.constant 0 : i32
      %cond3A_159 = arith.cmpi ne, %convert_element_type3A_157, %cond3A_158 : i32
      scf.if %cond3A_159 {
        %add3A_202 = arith.constant 3 : i32
        %add3A_203 = arith.addi %add3A_152, %add3A_202 : i32
        %dma_wait3A_204 = arith.constant 0 : i32
        %dma_wait3A_205 = arith.constant 0 : i32
        %dma_wait3A_206 = tpu.memref_slice %arg3[%arg1, %add3A_203, %dma_wait3A_204, %dma_wait3A_205] : memref<16x160x2x128xi32, #tpu.memory_space<hbm>> -> memref<1x1x2x128xi32, #tpu.memory_space<hbm>>
        %dma_wait3A_207 = tpu.memref_squeeze %dma_wait3A_206 : memref<1x1x2x128xi32, #tpu.memory_space<hbm>> -> memref<2x128xi32, #tpu.memory_space<hbm>>
        %dma_wait3A_208 = arith.constant 0 : i32
        %dma_wait3A_209 = arith.constant 0 : i32
        %dma_wait3A_210 = tpu.memref_slice %arg3[%arg1, %add3A_203, %dma_wait3A_208, %dma_wait3A_209] : memref<16x160x2x128xi32, #tpu.memory_space<hbm>> -> memref<1x1x2x128xi32, #tpu.memory_space<hbm>>
        %dma_wait3A_211 = tpu.memref_squeeze %dma_wait3A_210 : memref<1x1x2x128xi32, #tpu.memory_space<hbm>> -> memref<2x128xi32, #tpu.memory_space<hbm>>
        tpu.wait_dma2 semaphore(%arg21 : memref<!tpu.dma_semaphore, #tpu.memory_space<semaphore_mem>>) src(%dma_wait3A_211 : memref<2x128xi32, #tpu.memory_space<hbm>>) dst(%arg7 : memref<2x128xi32, #tpu.memory_space<vmem>>)
        %dma_start3A_212 = arith.constant 0 : i32
        %dma_start3A_213 = arith.constant 0 : i32
        %dma_start3A_214 = tpu.memref_slice %arg7[%dma_start3A_212, %dma_start3A_213] : memref<2x128xi32, #tpu.memory_space<vmem>> -> memref<1x128xi32, #tpu.memory_space<vmem>>
        %dma_start3A_215 = tpu.memref_squeeze %dma_start3A_214 : memref<1x128xi32, #tpu.memory_space<vmem>> -> memref<128xi32, #tpu.memory_space<vmem>>
        %dma_start3A_216 = arith.constant 0 : i32
        %dma_start3A_217 = arith.constant 0 : i32
        %dma_start3A_218 = tpu.memref_slice %arg14[%dma_start3A_216, %dma_start3A_217] : memref<10240x32xf32, #tpu.memory_space<vmem_shared>> -> memref<10240x32xf32, #tpu.memory_space<vmem_shared>>
        tpu.enqueue_indirect_dma source(%dma_start3A_218 : memref<10240x32xf32, #tpu.memory_space<vmem_shared>>) target(%arg11 : memref<128x32xf32, #tpu.memory_space<vmem>>) offsets(%dma_start3A_215 : memref<128xi32, #tpu.memory_space<vmem>>) semaphore(%arg17 : memref<!tpu.dma_semaphore, #tpu.memory_space<semaphore_mem>>)
      } else {
      }
      %dma_wait3A_160 = arith.constant 0 : i32
      %dma_wait3A_161 = arith.constant 0 : i32
      %dma_wait3A_162 = tpu.memref_slice %arg8[%dma_wait3A_160, %dma_wait3A_161] : memref<2x128xi32, #tpu.memory_space<vmem>> -> memref<1x128xi32, #tpu.memory_space<vmem>>
      %dma_wait3A_163 = tpu.memref_squeeze %dma_wait3A_162 : memref<1x128xi32, #tpu.memory_space<vmem>> -> memref<128xi32, #tpu.memory_space<vmem>>
      %dma_wait3A_164 = arith.constant 0 : i32
      %dma_wait3A_165 = arith.constant 0 : i32
      %dma_wait3A_166 = tpu.memref_slice %arg14[%dma_wait3A_164, %dma_wait3A_165] : memref<10240x32xf32, #tpu.memory_space<vmem_shared>> -> memref<10240x32xf32, #tpu.memory_space<vmem_shared>>
      tpu.wait_indirect_dma semaphore(%arg18 : memref<!tpu.dma_semaphore, #tpu.memory_space<semaphore_mem>>) src(%dma_wait3A_166 : memref<10240x32xf32, #tpu.memory_space<vmem_shared>>) dst(%arg12 : memref<128x32xf32, #tpu.memory_space<vmem>>)
      %run_scoped3A_167 = arith.constant 1 : i32
      "tpu.region"() ({
        %run_scoped3A_202 = tpu.sem_alloc : memref<!tpu.dma_semaphore, #tpu.memory_space<semaphore_mem>>
        %dma_start3A_203 = arith.constant 0 : i32
        %dma_start3A_204 = tpu.memref_slice %arg8[%run_scoped3A_167, %dma_start3A_203] : memref<2x128xi32, #tpu.memory_space<vmem>> -> memref<1x128xi32, #tpu.memory_space<vmem>>
        %dma_start3A_205 = tpu.memref_squeeze %dma_start3A_204 : memref<1x128xi32, #tpu.memory_space<vmem>> -> memref<128xi32, #tpu.memory_space<vmem>>
        %dma_start3A_206 = arith.constant 0 : i32
        %dma_start3A_207 = arith.constant 0 : i32
        %dma_start3A_208 = tpu.memref_slice %arg15[%dma_start3A_206, %dma_start3A_207] : memref<10240x32xf32, #tpu.memory_space<vmem_shared>> -> memref<10240x32xf32, #tpu.memory_space<vmem_shared>>
        tpu.enqueue_indirect_dma source(%arg12 : memref<128x32xf32, #tpu.memory_space<vmem>>) target(%dma_start3A_208 : memref<10240x32xf32, #tpu.memory_space<vmem_shared>>) offsets(%dma_start3A_205 : memref<128xi32, #tpu.memory_space<vmem>>) semaphore(%run_scoped3A_202 : memref<!tpu.dma_semaphore, #tpu.memory_space<semaphore_mem>>) {add = true}
        %dma_wait3A_209 = arith.constant 0 : i32
        %dma_wait3A_210 = tpu.memref_slice %arg8[%run_scoped3A_167, %dma_wait3A_209] : memref<2x128xi32, #tpu.memory_space<vmem>> -> memref<1x128xi32, #tpu.memory_space<vmem>>
        %dma_wait3A_211 = tpu.memref_squeeze %dma_wait3A_210 : memref<1x128xi32, #tpu.memory_space<vmem>> -> memref<128xi32, #tpu.memory_space<vmem>>
        %dma_wait3A_212 = arith.constant 0 : i32
        %dma_wait3A_213 = arith.constant 0 : i32
        %dma_wait3A_214 = tpu.memref_slice %arg15[%dma_wait3A_212, %dma_wait3A_213] : memref<10240x32xf32, #tpu.memory_space<vmem_shared>> -> memref<10240x32xf32, #tpu.memory_space<vmem_shared>>
        tpu.wait_indirect_dma semaphore(%run_scoped3A_202 : memref<!tpu.dma_semaphore, #tpu.memory_space<semaphore_mem>>) src(%arg12 : memref<128x32xf32, #tpu.memory_space<vmem>>) dst(%dma_wait3A_214 : memref<10240x32xf32, #tpu.memory_space<vmem_shared>>)
        tpu.yield
      }) : () -> ()
      %add3A_168 = arith.constant 4 : i32
      %add3A_169 = arith.addi %add3A_152, %add3A_168 : i32
      %lt3A_170 = arith.constant 160 : i32
      %lt3A_171 = arith.cmpi slt, %add3A_169, %lt3A_170 : i32
      %convert_element_type3A_172 = arith.extui %lt3A_171 : i1 to i32
      %cond3A_173 = arith.constant 0 : i32
      %cond3A_174 = arith.cmpi ne, %convert_element_type3A_172, %cond3A_173 : i32
      scf.if %cond3A_174 {
        %add3A_202 = arith.constant 4 : i32
        %add3A_203 = arith.addi %add3A_152, %add3A_202 : i32
        %dma_start3A_204 = arith.constant 0 : i32
        %dma_start3A_205 = arith.constant 0 : i32
        %dma_start3A_206 = tpu.memref_slice %arg3[%arg1, %add3A_203, %dma_start3A_204, %dma_start3A_205] : memref<16x160x2x128xi32, #tpu.memory_space<hbm>> -> memref<1x1x2x128xi32, #tpu.memory_space<hbm>>
        %dma_start3A_207 = tpu.memref_squeeze %dma_start3A_206 : memref<1x1x2x128xi32, #tpu.memory_space<hbm>> -> memref<2x128xi32, #tpu.memory_space<hbm>>
        %dma_start3A_208 = arith.constant 0 : i32
        %dma_start3A_209 = arith.constant 0 : i32
        %dma_start3A_210 = tpu.memref_slice %arg3[%arg1, %add3A_203, %dma_start3A_208, %dma_start3A_209] : memref<16x160x2x128xi32, #tpu.memory_space<hbm>> -> memref<1x1x2x128xi32, #tpu.memory_space<hbm>>
        %dma_start3A_211 = tpu.memref_squeeze %dma_start3A_210 : memref<1x1x2x128xi32, #tpu.memory_space<hbm>> -> memref<2x128xi32, #tpu.memory_space<hbm>>
        tpu.enqueue_dma source(%dma_start3A_211 : memref<2x128xi32, #tpu.memory_space<hbm>>) target(%arg8 : memref<2x128xi32, #tpu.memory_space<vmem>>) target_semaphore(%arg22 : memref<!tpu.dma_semaphore, #tpu.memory_space<semaphore_mem>>)
      } else {
      }
      %mul3A_175 = arith.constant 4 : i32
      %mul3A_176 = arith.muli %scan3A_100, %mul3A_175 : i32
      %add3A_177 = arith.constant 3 : i32
      %add3A_178 = arith.addi %mul3A_176, %add3A_177 : i32
      %add3A_179 = arith.constant 3 : i32
      %add3A_180 = arith.addi %add3A_178, %add3A_179 : i32
      %lt3A_181 = arith.constant 160 : i32
      %lt3A_182 = arith.cmpi slt, %add3A_180, %lt3A_181 : i32
      %convert_element_type3A_183 = arith.extui %lt3A_182 : i1 to i32
      %cond3A_184 = arith.constant 0 : i32
      %cond3A_185 = arith.cmpi ne, %convert_element_type3A_183, %cond3A_184 : i32
      scf.if %cond3A_185 {
        %add3A_202 = arith.constant 3 : i32
        %add3A_203 = arith.addi %add3A_178, %add3A_202 : i32
        %dma_wait3A_204 = arith.constant 0 : i32
        %dma_wait3A_205 = arith.constant 0 : i32
        %dma_wait3A_206 = tpu.memref_slice %arg3[%arg1, %add3A_203, %dma_wait3A_204, %dma_wait3A_205] : memref<16x160x2x128xi32, #tpu.memory_space<hbm>> -> memref<1x1x2x128xi32, #tpu.memory_space<hbm>>
        %dma_wait3A_207 = tpu.memref_squeeze %dma_wait3A_206 : memref<1x1x2x128xi32, #tpu.memory_space<hbm>> -> memref<2x128xi32, #tpu.memory_space<hbm>>
        %dma_wait3A_208 = arith.constant 0 : i32
        %dma_wait3A_209 = arith.constant 0 : i32
        %dma_wait3A_210 = tpu.memref_slice %arg3[%arg1, %add3A_203, %dma_wait3A_208, %dma_wait3A_209] : memref<16x160x2x128xi32, #tpu.memory_space<hbm>> -> memref<1x1x2x128xi32, #tpu.memory_space<hbm>>
        %dma_wait3A_211 = tpu.memref_squeeze %dma_wait3A_210 : memref<1x1x2x128xi32, #tpu.memory_space<hbm>> -> memref<2x128xi32, #tpu.memory_space<hbm>>
        tpu.wait_dma2 semaphore(%arg22 : memref<!tpu.dma_semaphore, #tpu.memory_space<semaphore_mem>>) src(%dma_wait3A_211 : memref<2x128xi32, #tpu.memory_space<hbm>>) dst(%arg8 : memref<2x128xi32, #tpu.memory_space<vmem>>)
        %dma_start3A_212 = arith.constant 0 : i32
        %dma_start3A_213 = arith.constant 0 : i32
        %dma_start3A_214 = tpu.memref_slice %arg8[%dma_start3A_212, %dma_start3A_213] : memref<2x128xi32, #tpu.memory_space<vmem>> -> memref<1x128xi32, #tpu.memory_space<vmem>>
        %dma_start3A_215 = tpu.memref_squeeze %dma_start3A_214 : memref<1x128xi32, #tpu.memory_space<vmem>> -> memref<128xi32, #tpu.memory_space<vmem>>
        %dma_start3A_216 = arith.constant 0 : i32
        %dma_start3A_217 = arith.constant 0 : i32
        %dma_start3A_218 = tpu.memref_slice %arg14[%dma_start3A_216, %dma_start3A_217] : memref<10240x32xf32, #tpu.memory_space<vmem_shared>> -> memref<10240x32xf32, #tpu.memory_space<vmem_shared>>
        tpu.enqueue_indirect_dma source(%dma_start3A_218 : memref<10240x32xf32, #tpu.memory_space<vmem_shared>>) target(%arg12 : memref<128x32xf32, #tpu.memory_space<vmem>>) offsets(%dma_start3A_215 : memref<128xi32, #tpu.memory_space<vmem>>) semaphore(%arg18 : memref<!tpu.dma_semaphore, #tpu.memory_space<semaphore_mem>>)
      } else {
      }
      %dma_wait3A_186 = arith.constant 0 : i32
      %dma_wait3A_187 = arith.constant 0 : i32
      %dma_wait3A_188 = tpu.memref_slice %arg9[%dma_wait3A_186, %dma_wait3A_187] : memref<2x128xi32, #tpu.memory_space<vmem>> -> memref<1x128xi32, #tpu.memory_space<vmem>>
      %dma_wait3A_189 = tpu.memref_squeeze %dma_wait3A_188 : memref<1x128xi32, #tpu.memory_space<vmem>> -> memref<128xi32, #tpu.memory_space<vmem>>
      %dma_wait3A_190 = arith.constant 0 : i32
      %dma_wait3A_191 = arith.constant 0 : i32
      %dma_wait3A_192 = tpu.memref_slice %arg14[%dma_wait3A_190, %dma_wait3A_191] : memref<10240x32xf32, #tpu.memory_space<vmem_shared>> -> memref<10240x32xf32, #tpu.memory_space<vmem_shared>>
      tpu.wait_indirect_dma semaphore(%arg19 : memref<!tpu.dma_semaphore, #tpu.memory_space<semaphore_mem>>) src(%dma_wait3A_192 : memref<10240x32xf32, #tpu.memory_space<vmem_shared>>) dst(%arg13 : memref<128x32xf32, #tpu.memory_space<vmem>>)
      %run_scoped3A_193 = arith.constant 1 : i32
      "tpu.region"() ({
        %run_scoped3A_202 = tpu.sem_alloc : memref<!tpu.dma_semaphore, #tpu.memory_space<semaphore_mem>>
        %dma_start3A_203 = arith.constant 0 : i32
        %dma_start3A_204 = tpu.memref_slice %arg9[%run_scoped3A_193, %dma_start3A_203] : memref<2x128xi32, #tpu.memory_space<vmem>> -> memref<1x128xi32, #tpu.memory_space<vmem>>
        %dma_start3A_205 = tpu.memref_squeeze %dma_start3A_204 : memref<1x128xi32, #tpu.memory_space<vmem>> -> memref<128xi32, #tpu.memory_space<vmem>>
        %dma_start3A_206 = arith.constant 0 : i32
        %dma_start3A_207 = arith.constant 0 : i32
        %dma_start3A_208 = tpu.memref_slice %arg15[%dma_start3A_206, %dma_start3A_207] : memref<10240x32xf32, #tpu.memory_space<vmem_shared>> -> memref<10240x32xf32, #tpu.memory_space<vmem_shared>>
        tpu.enqueue_indirect_dma source(%arg13 : memref<128x32xf32, #tpu.memory_space<vmem>>) target(%dma_start3A_208 : memref<10240x32xf32, #tpu.memory_space<vmem_shared>>) offsets(%dma_start3A_205 : memref<128xi32, #tpu.memory_space<vmem>>) semaphore(%run_scoped3A_202 : memref<!tpu.dma_semaphore, #tpu.memory_space<semaphore_mem>>) {add = true}
        %dma_wait3A_209 = arith.constant 0 : i32
        %dma_wait3A_210 = tpu.memref_slice %arg9[%run_scoped3A_193, %dma_wait3A_209] : memref<2x128xi32, #tpu.memory_space<vmem>> -> memref<1x128xi32, #tpu.memory_space<vmem>>
        %dma_wait3A_211 = tpu.memref_squeeze %dma_wait3A_210 : memref<1x128xi32, #tpu.memory_space<vmem>> -> memref<128xi32, #tpu.memory_space<vmem>>
        %dma_wait3A_212 = arith.constant 0 : i32
        %dma_wait3A_213 = arith.constant 0 : i32
        %dma_wait3A_214 = tpu.memref_slice %arg15[%dma_wait3A_212, %dma_wait3A_213] : memref<10240x32xf32, #tpu.memory_space<vmem_shared>> -> memref<10240x32xf32, #tpu.memory_space<vmem_shared>>
        tpu.wait_indirect_dma semaphore(%run_scoped3A_202 : memref<!tpu.dma_semaphore, #tpu.memory_space<semaphore_mem>>) src(%arg13 : memref<128x32xf32, #tpu.memory_space<vmem>>) dst(%dma_wait3A_214 : memref<10240x32xf32, #tpu.memory_space<vmem_shared>>)
        tpu.yield
      }) : () -> ()
      %add3A_194 = arith.constant 4 : i32
      %add3A_195 = arith.addi %add3A_178, %add3A_194 : i32
      %lt3A_196 = arith.constant 160 : i32
      %lt3A_197 = arith.cmpi slt, %add3A_195, %lt3A_196 : i32
      %convert_element_type3A_198 = arith.extui %lt3A_197 : i1 to i32
      %cond3A_199 = arith.constant 0 : i32
      %cond3A_200 = arith.cmpi ne, %convert_element_type3A_198, %cond3A_199 : i32
      scf.if %cond3A_200 {
        %add3A_202 = arith.constant 4 : i32
        %add3A_203 = arith.addi %add3A_178, %add3A_202 : i32
        %dma_start3A_204 = arith.constant 0 : i32
        %dma_start3A_205 = arith.constant 0 : i32
        %dma_start3A_206 = tpu.memref_slice %arg3[%arg1, %add3A_203, %dma_start3A_204, %dma_start3A_205] : memref<16x160x2x128xi32, #tpu.memory_space<hbm>> -> memref<1x1x2x128xi32, #tpu.memory_space<hbm>>
        %dma_start3A_207 = tpu.memref_squeeze %dma_start3A_206 : memref<1x1x2x128xi32, #tpu.memory_space<hbm>> -> memref<2x128xi32, #tpu.memory_space<hbm>>
        %dma_start3A_208 = arith.constant 0 : i32
        %dma_start3A_209 = arith.constant 0 : i32
        %dma_start3A_210 = tpu.memref_slice %arg3[%arg1, %add3A_203, %dma_start3A_208, %dma_start3A_209] : memref<16x160x2x128xi32, #tpu.memory_space<hbm>> -> memref<1x1x2x128xi32, #tpu.memory_space<hbm>>
        %dma_start3A_211 = tpu.memref_squeeze %dma_start3A_210 : memref<1x1x2x128xi32, #tpu.memory_space<hbm>> -> memref<2x128xi32, #tpu.memory_space<hbm>>
        tpu.enqueue_dma source(%dma_start3A_211 : memref<2x128xi32, #tpu.memory_space<hbm>>) target(%arg9 : memref<2x128xi32, #tpu.memory_space<vmem>>) target_semaphore(%arg23 : memref<!tpu.dma_semaphore, #tpu.memory_space<semaphore_mem>>)
      } else {
      }
      %scan3A_201 = arith.constant 0 : i32
      scf.yield %scan3A_201 : i32
    }
    %scan3A_94 = arith.constant 40 : i32
    %barrier3A_95 = arith.constant 0 : index
    tpu.barrier barrier_id(%barrier3A_95)
    %mul3A_96 = arith.constant 640 : i32
    %mul3A_97 = arith.muli %arg1, %mul3A_96 : i32
    %mul3A_98 = arith.constant 640 : i32
    %mul3A_99 = arith.muli %arg1, %mul3A_98 : i32
    "tpu.region"() ({
      %run_scoped3A = tpu.sem_alloc : memref<!tpu.dma_semaphore, #tpu.memory_space<semaphore_mem>>
      %dma_start3A_100 = arith.constant 0 : i32
      %dma_start3A_101 = tpu.memref_slice %arg5[%arg0, %mul3A_99, %dma_start3A_100] : memref<2x10240x32xf32, #tpu.memory_space<hbm>> -> memref<1x640x32xf32, #tpu.memory_space<hbm>>
      %dma_start3A_102 = tpu.memref_squeeze %dma_start3A_101 : memref<1x640x32xf32, #tpu.memory_space<hbm>> -> memref<640x32xf32, #tpu.memory_space<hbm>>
      %dma_start3A_103 = arith.constant 0 : i32
      %dma_start3A_104 = tpu.memref_slice %arg15[%mul3A_97, %dma_start3A_103] : memref<10240x32xf32, #tpu.memory_space<vmem_shared>> -> memref<640x32xf32, #tpu.memory_space<vmem_shared>>
      tpu.enqueue_dma source(%dma_start3A_104 : memref<640x32xf32, #tpu.memory_space<vmem_shared>>) target(%dma_start3A_102 : memref<640x32xf32, #tpu.memory_space<hbm>>) target_semaphore(%run_scoped3A : memref<!tpu.dma_semaphore, #tpu.memory_space<semaphore_mem>>)
      %dma_wait3A_105 = arith.constant 0 : i32
      %dma_wait3A_106 = tpu.memref_slice %arg5[%arg0, %mul3A_99, %dma_wait3A_105] : memref<2x10240x32xf32, #tpu.memory_space<hbm>> -> memref<1x640x32xf32, #tpu.memory_space<hbm>>
      %dma_wait3A_107 = tpu.memref_squeeze %dma_wait3A_106 : memref<1x640x32xf32, #tpu.memory_space<hbm>> -> memref<640x32xf32, #tpu.memory_space<hbm>>
      %dma_wait3A_108 = arith.constant 0 : i32
      %dma_wait3A_109 = tpu.memref_slice %arg15[%mul3A_97, %dma_wait3A_108] : memref<10240x32xf32, #tpu.memory_space<vmem_shared>> -> memref<640x32xf32, #tpu.memory_space<vmem_shared>>
      tpu.wait_dma2 semaphore(%run_scoped3A : memref<!tpu.dma_semaphore, #tpu.memory_space<semaphore_mem>>) src(%dma_wait3A_109 : memref<640x32xf32, #tpu.memory_space<vmem_shared>>) dst(%dma_wait3A_107 : memref<640x32xf32, #tpu.memory_space<hbm>>)
      tpu.yield
    }) : () -> ()
    return
  }
}

#map = affine_map<(d0, d1) -> (0, 0, 0)>
#map1 = affine_map<(d0, d1) -> (0, 0)>
module attributes {stable_mosaic.version = 14 : i64} {
  func.func @_deg_body(%arg0: i32, %arg1: i32, %arg2: memref<32x80x128xi32, #tpu.memory_space<hbm>>, %arg3: memref<32x10240xf32, #tpu.memory_space<hbm>>, %arg4: memref<80x128xi32, #tpu.memory_space<vmem>>, %arg5: memref<10240xf32, #tpu.memory_space<vmem>>) attributes {dimension_semantics = [#tpu.dimension_semantics<core_parallel>, #tpu.dimension_semantics<subcore_parallel>], iteration_bounds = array<i64: 2, 16>, scalar_prefetch = 0 : i64, scratch_operands = 2 : i64, tpu.core_type = #tpu.core_type<sc_vector_subcore>, window_params = [{transform_indices = #map}, {transform_indices = #map1}]} {
    %mul3A = arith.constant 16 : i32
    %mul3A_0 = arith.muli %arg0, %mul3A : i32
    %add3A = arith.addi %mul3A_0, %arg1 : i32
    %scan3A = arith.constant 0 : i32
    %scan3A_1 = arith.constant 0 : i32
    %scan3A_2 = arith.constant 640 : i32
    %scan3A_3 = arith.addi %scan3A_1, %scan3A_2 : i32
    %scan3A_4 = arith.constant 1 : i32
    %scan3A_5 = scf.for %scan3A_15 = %scan3A_1 to %scan3A_3 step %scan3A_4 iter_args(%scan3A_16 = %scan3A) -> (i32)  : i32 {
      %broadcast_in_dim3A_17 = arith.constant 0.000000e+00 : f32
      %broadcast_in_dim3A_18 = vector.broadcast %broadcast_in_dim3A_17 : f32 to vector<16xf32>
      %mul3A_19 = arith.constant 16 : i32
      %mul3A_20 = arith.muli %scan3A_15, %mul3A_19 : i32
      %swap3A = arith.index_cast %mul3A_20 : i32 to index
      %swap3A_21 = tpu.vector_load %arg5[%swap3A] {strides = array<i32>} : memref<10240xf32, #tpu.memory_space<vmem>>, vector<16xf32>,
      tpu.vector_store %arg5[%swap3A], %broadcast_in_dim3A_18 {strides = array<i32>} : memref<10240xf32, #tpu.memory_space<vmem>>, vector<16xf32>,
      %scan3A_22 = arith.constant 0 : i32
      scf.yield %scan3A_22 : i32
    }
    %scan3A_6 = arith.constant 640 : i32
    "tpu.region"() ({
      %run_scoped3A = tpu.sem_alloc : memref<!tpu.dma_semaphore, #tpu.memory_space<semaphore_mem>>
      %dma_start3A = arith.constant 0 : i32
      %dma_start3A_15 = arith.constant 0 : i32
      %dma_start3A_16 = tpu.memref_slice %arg2[%add3A, %dma_start3A, %dma_start3A_15] : memref<32x80x128xi32, #tpu.memory_space<hbm>> -> memref<1x80x128xi32, #tpu.memory_space<hbm>>
      %dma_start3A_17 = tpu.memref_squeeze %dma_start3A_16 : memref<1x80x128xi32, #tpu.memory_space<hbm>> -> memref<80x128xi32, #tpu.memory_space<hbm>>
      %dma_start3A_18 = arith.constant 0 : i32
      %dma_start3A_19 = arith.constant 0 : i32
      %dma_start3A_20 = tpu.memref_slice %arg2[%add3A, %dma_start3A_18, %dma_start3A_19] : memref<32x80x128xi32, #tpu.memory_space<hbm>> -> memref<1x80x128xi32, #tpu.memory_space<hbm>>
      %dma_start3A_21 = tpu.memref_squeeze %dma_start3A_20 : memref<1x80x128xi32, #tpu.memory_space<hbm>> -> memref<80x128xi32, #tpu.memory_space<hbm>>
      tpu.enqueue_dma source(%dma_start3A_21 : memref<80x128xi32, #tpu.memory_space<hbm>>) target(%arg4 : memref<80x128xi32, #tpu.memory_space<vmem>>) target_semaphore(%run_scoped3A : memref<!tpu.dma_semaphore, #tpu.memory_space<semaphore_mem>>)
      %dma_wait3A = arith.constant 0 : i32
      %dma_wait3A_22 = arith.constant 0 : i32
      %dma_wait3A_23 = tpu.memref_slice %arg2[%add3A, %dma_wait3A, %dma_wait3A_22] : memref<32x80x128xi32, #tpu.memory_space<hbm>> -> memref<1x80x128xi32, #tpu.memory_space<hbm>>
      %dma_wait3A_24 = tpu.memref_squeeze %dma_wait3A_23 : memref<1x80x128xi32, #tpu.memory_space<hbm>> -> memref<80x128xi32, #tpu.memory_space<hbm>>
      %dma_wait3A_25 = arith.constant 0 : i32
      %dma_wait3A_26 = arith.constant 0 : i32
      %dma_wait3A_27 = tpu.memref_slice %arg2[%add3A, %dma_wait3A_25, %dma_wait3A_26] : memref<32x80x128xi32, #tpu.memory_space<hbm>> -> memref<1x80x128xi32, #tpu.memory_space<hbm>>
      %dma_wait3A_28 = tpu.memref_squeeze %dma_wait3A_27 : memref<1x80x128xi32, #tpu.memory_space<hbm>> -> memref<80x128xi32, #tpu.memory_space<hbm>>
      tpu.wait_dma2 semaphore(%run_scoped3A : memref<!tpu.dma_semaphore, #tpu.memory_space<semaphore_mem>>) src(%dma_wait3A_28 : memref<80x128xi32, #tpu.memory_space<hbm>>) dst(%arg4 : memref<80x128xi32, #tpu.memory_space<vmem>>)
      tpu.yield
    }) : () -> ()
    %broadcast_in_dim3A = arith.constant 1.000000e+00 : f32
    %broadcast_in_dim3A_7 = vector.broadcast %broadcast_in_dim3A : f32 to vector<16xf32>
    %scan3A_8 = arith.constant 0 : i32
    %scan3A_9 = arith.constant 0 : i32
    %scan3A_10 = arith.constant 80 : i32
    %scan3A_11 = arith.addi %scan3A_9, %scan3A_10 : i32
    %scan3A_12 = arith.constant 1 : i32
    %scan3A_13 = scf.for %scan3A_15 = %scan3A_9 to %scan3A_11 step %scan3A_12 iter_args(%scan3A_16 = %scan3A_8) -> (i32)  : i32 {
      %get3A = arith.index_cast %scan3A_15 : i32 to index
      %get3A_17 = arith.constant 0 : index
      %get3A_18 = tpu.vector_load %arg4[%get3A, %get3A_17] {strides = array<i32>} : memref<80x128xi32, #tpu.memory_space<vmem>>, vector<16xi32>,
      tpu.vector_store_idx %arg5[%get3A_18], %broadcast_in_dim3A_7 {add = true} : memref<10240xf32, #tpu.memory_space<vmem>>[vector<16xi32>], vector<16xf32>,
      %get3A_19 = arith.index_cast %scan3A_15 : i32 to index
      %get3A_20 = arith.constant 16 : index
      %get3A_21 = tpu.vector_load %arg4[%get3A_19, %get3A_20] {strides = array<i32>} : memref<80x128xi32, #tpu.memory_space<vmem>>, vector<16xi32>,
      tpu.vector_store_idx %arg5[%get3A_21], %broadcast_in_dim3A_7 {add = true} : memref<10240xf32, #tpu.memory_space<vmem>>[vector<16xi32>], vector<16xf32>,
      %get3A_22 = arith.index_cast %scan3A_15 : i32 to index
      %get3A_23 = arith.constant 32 : index
      %get3A_24 = tpu.vector_load %arg4[%get3A_22, %get3A_23] {strides = array<i32>} : memref<80x128xi32, #tpu.memory_space<vmem>>, vector<16xi32>,
      tpu.vector_store_idx %arg5[%get3A_24], %broadcast_in_dim3A_7 {add = true} : memref<10240xf32, #tpu.memory_space<vmem>>[vector<16xi32>], vector<16xf32>,
      %get3A_25 = arith.index_cast %scan3A_15 : i32 to index
      %get3A_26 = arith.constant 48 : index
      %get3A_27 = tpu.vector_load %arg4[%get3A_25, %get3A_26] {strides = array<i32>} : memref<80x128xi32, #tpu.memory_space<vmem>>, vector<16xi32>,
      tpu.vector_store_idx %arg5[%get3A_27], %broadcast_in_dim3A_7 {add = true} : memref<10240xf32, #tpu.memory_space<vmem>>[vector<16xi32>], vector<16xf32>,
      %get3A_28 = arith.index_cast %scan3A_15 : i32 to index
      %get3A_29 = arith.constant 64 : index
      %get3A_30 = tpu.vector_load %arg4[%get3A_28, %get3A_29] {strides = array<i32>} : memref<80x128xi32, #tpu.memory_space<vmem>>, vector<16xi32>,
      tpu.vector_store_idx %arg5[%get3A_30], %broadcast_in_dim3A_7 {add = true} : memref<10240xf32, #tpu.memory_space<vmem>>[vector<16xi32>], vector<16xf32>,
      %get3A_31 = arith.index_cast %scan3A_15 : i32 to index
      %get3A_32 = arith.constant 80 : index
      %get3A_33 = tpu.vector_load %arg4[%get3A_31, %get3A_32] {strides = array<i32>} : memref<80x128xi32, #tpu.memory_space<vmem>>, vector<16xi32>,
      tpu.vector_store_idx %arg5[%get3A_33], %broadcast_in_dim3A_7 {add = true} : memref<10240xf32, #tpu.memory_space<vmem>>[vector<16xi32>], vector<16xf32>,
      %get3A_34 = arith.index_cast %scan3A_15 : i32 to index
      %get3A_35 = arith.constant 96 : index
      %get3A_36 = tpu.vector_load %arg4[%get3A_34, %get3A_35] {strides = array<i32>} : memref<80x128xi32, #tpu.memory_space<vmem>>, vector<16xi32>,
      tpu.vector_store_idx %arg5[%get3A_36], %broadcast_in_dim3A_7 {add = true} : memref<10240xf32, #tpu.memory_space<vmem>>[vector<16xi32>], vector<16xf32>,
      %get3A_37 = arith.index_cast %scan3A_15 : i32 to index
      %get3A_38 = arith.constant 112 : index
      %get3A_39 = tpu.vector_load %arg4[%get3A_37, %get3A_38] {strides = array<i32>} : memref<80x128xi32, #tpu.memory_space<vmem>>, vector<16xi32>,
      tpu.vector_store_idx %arg5[%get3A_39], %broadcast_in_dim3A_7 {add = true} : memref<10240xf32, #tpu.memory_space<vmem>>[vector<16xi32>], vector<16xf32>,
      %scan3A_40 = arith.constant 0 : i32
      scf.yield %scan3A_40 : i32
    }
    %scan3A_14 = arith.constant 80 : i32
    "tpu.region"() ({
      %run_scoped3A = tpu.sem_alloc : memref<!tpu.dma_semaphore, #tpu.memory_space<semaphore_mem>>
      %dma_start3A = arith.constant 0 : i32
      %dma_start3A_15 = tpu.memref_slice %arg3[%add3A, %dma_start3A] : memref<32x10240xf32, #tpu.memory_space<hbm>> -> memref<1x10240xf32, #tpu.memory_space<hbm>>
      %dma_start3A_16 = tpu.memref_squeeze %dma_start3A_15 : memref<1x10240xf32, #tpu.memory_space<hbm>> -> memref<10240xf32, #tpu.memory_space<hbm>>
      %dma_start3A_17 = arith.constant 0 : i32
      %dma_start3A_18 = tpu.memref_slice %arg3[%add3A, %dma_start3A_17] : memref<32x10240xf32, #tpu.memory_space<hbm>> -> memref<1x10240xf32, #tpu.memory_space<hbm>>
      %dma_start3A_19 = tpu.memref_squeeze %dma_start3A_18 : memref<1x10240xf32, #tpu.memory_space<hbm>> -> memref<10240xf32, #tpu.memory_space<hbm>>
      tpu.enqueue_dma source(%arg5 : memref<10240xf32, #tpu.memory_space<vmem>>) target(%dma_start3A_19 : memref<10240xf32, #tpu.memory_space<hbm>>) target_semaphore(%run_scoped3A : memref<!tpu.dma_semaphore, #tpu.memory_space<semaphore_mem>>)
      %dma_wait3A = arith.constant 0 : i32
      %dma_wait3A_20 = tpu.memref_slice %arg3[%add3A, %dma_wait3A] : memref<32x10240xf32, #tpu.memory_space<hbm>> -> memref<1x10240xf32, #tpu.memory_space<hbm>>
      %dma_wait3A_21 = tpu.memref_squeeze %dma_wait3A_20 : memref<1x10240xf32, #tpu.memory_space<hbm>> -> memref<10240xf32, #tpu.memory_space<hbm>>
      %dma_wait3A_22 = arith.constant 0 : i32
      %dma_wait3A_23 = tpu.memref_slice %arg3[%add3A, %dma_wait3A_22] : memref<32x10240xf32, #tpu.memory_space<hbm>> -> memref<1x10240xf32, #tpu.memory_space<hbm>>
      %dma_wait3A_24 = tpu.memref_squeeze %dma_wait3A_23 : memref<1x10240xf32, #tpu.memory_space<hbm>> -> memref<10240xf32, #tpu.memory_space<hbm>>
      tpu.wait_dma2 semaphore(%run_scoped3A : memref<!tpu.dma_semaphore, #tpu.memory_space<semaphore_mem>>) src(%arg5 : memref<10240xf32, #tpu.memory_space<vmem>>) dst(%dma_wait3A_24 : memref<10240xf32, #tpu.memory_space<hbm>>)
      tpu.yield
    }) : () -> ()
    return
  }
}

module attributes {stable_mosaic.version = 14 : i64} {
  func.func @_scale_in_body(%arg0: i32, %arg1: i32, %arg2: memref<2000x128xf32, #tpu.memory_space<vmem>>, %arg3: memref<1x128x64xf32, #tpu.memory_space<vmem>>, %arg4: memref<2000x32xf32, #tpu.memory_space<vmem>>, %arg5: memref<1x2000x64xf32, #tpu.memory_space<vmem>>) attributes {dimension_semantics = [#tpu.dimension_semantics<arbitrary>, #tpu.dimension_semantics<arbitrary>], iteration_bounds = array<i64: 5, 2>, scalar_prefetch = 0 : i64, scratch_operands = 0 : i64, tpu.core_type = #tpu.core_type<tc>, window_params = [{transform_indices = @transform_0, window_bounds = array<i64: 2000, 128>}, {transform_indices = @transform_1, window_bounds = array<i64: 1, 128, 64>}, {transform_indices = @transform_2, window_bounds = array<i64: 2000, 32>}, {transform_indices = @transform_3, window_bounds = array<i64: 1, 2000, 64>}]} {
    %get3A = arith.constant 0 : index
    %get3A_0 = arith.constant 0 : index
    %get3A_1 = vector.load %arg4[%get3A, %get3A_0] : memref<2000x32xf32, #tpu.memory_space<vmem>>, vector<2000x32xf32>
    %reduce_sum3A = arith.constant dense<0.000000e+00> : vector<2000xf32>
    %reduce_sum3A_2 = vector.multi_reduction <add>, %get3A_1, %reduce_sum3A [1] : vector<2000x32xf32> to vector<2000xf32>
    %broadcast_in_dim3A = vector.shape_cast %reduce_sum3A_2 : vector<2000xf32> to vector<2000x1xf32>
    %add3A = arith.constant 1.000000e+00 : f32
    %add3A_3 = vector.broadcast %add3A : f32 to vector<2000x1xf32>
    %add3A_4 = arith.addf %add3A_3, %broadcast_in_dim3A : vector<2000x1xf32>
    %rsqrt3A = math.rsqrt %add3A_4 : vector<2000x1xf32>
    %get3A_5 = arith.constant 0 : index
    %get3A_6 = arith.constant 0 : index
    %get3A_7 = vector.load %arg2[%get3A_5, %get3A_6] : memref<2000x128xf32, #tpu.memory_space<vmem>>, vector<2000x128xf32>
    %get3A_8 = arith.constant 0 : index
    %get3A_9 = arith.constant 0 : index
    %get3A_10 = arith.constant 0 : index
    %get3A_11 = vector.load %arg3[%get3A_8, %get3A_9, %get3A_10] : memref<1x128x64xf32, #tpu.memory_space<vmem>>, vector<1x128x64xf32>
    %get3A_12 = vector.shape_cast %get3A_11 : vector<1x128x64xf32> to vector<128x64xf32>
    %dot_general3A = arith.constant dense<0.000000e+00> : vector<2000x64xf32>
    %dot_general3A_13 = tpu.matmul %get3A_7, %get3A_12, %dot_general3A {dimension_numbers = #tpu.dot_dimension_numbers<[1], [0], [0], [1], [0, 0, 1, 1], [], []>, transpose_lhs_hint = false} : vector<2000x128xf32>, vector<128x64xf32>, vector<2000x64xf32> -> vector<2000x64xf32>
    %mul3A = vector.broadcast %rsqrt3A : vector<2000x1xf32> to vector<2000x64xf32>
    %mul3A_14 = arith.mulf %dot_general3A_13, %mul3A : vector<2000x64xf32>
    %swap3A = arith.constant 0 : index
    %swap3A_15 = arith.constant 0 : index
    %swap3A_16 = arith.constant 0 : index
    %swap3A_17 = vector.load %arg5[%swap3A, %swap3A_15, %swap3A_16] : memref<1x2000x64xf32, #tpu.memory_space<vmem>>, vector<1x2000x64xf32>
    %swap3A_18 = vector.shape_cast %swap3A_17 : vector<1x2000x64xf32> to vector<2000x64xf32>
    %swap3A_19 = vector.shape_cast %mul3A_14 : vector<2000x64xf32> to vector<1x2000x64xf32>
    tpu.vector_store %arg5[%swap3A, %swap3A_15, %swap3A_16], %swap3A_19 {strides = array<i32>} : memref<1x2000x64xf32, #tpu.memory_space<vmem>>, vector<1x2000x64xf32>,
    return
  }
  func.func @transform_0(%arg0: i32, %arg1: i32) -> (i32, i32) {
    %c0_i32 = arith.constant 0 : i32
    %c0_i32_0 = arith.constant 0 : i32
    return %arg0, %c0_i32 : i32, i32
  }
  func.func @transform_1(%arg0: i32, %arg1: i32) -> (i32, i32, i32) {
    %c0_i32 = arith.constant 0 : i32
    %c0_i32_0 = arith.constant 0 : i32
    %c0_i32_1 = arith.constant 0 : i32
    return %arg1, %c0_i32, %c0_i32_0 : i32, i32, i32
  }
  func.func @transform_2(%arg0: i32, %arg1: i32) -> (i32, i32) {
    %c0_i32 = arith.constant 0 : i32
    %c0_i32_0 = arith.constant 0 : i32
    return %arg0, %c0_i32 : i32, i32
  }
  func.func @transform_3(%arg0: i32, %arg1: i32) -> (i32, i32, i32) {
    %c0_i32 = arith.constant 0 : i32
    %c0_i32_0 = arith.constant 0 : i32
    return %arg1, %arg0, %c0_i32 : i32, i32, i32
  }
}

module attributes {stable_mosaic.version = 14 : i64} {
  func.func @_mid_body(%arg0: i32, %arg1: i32, %arg2: memref<2x2000x64xf32, #tpu.memory_space<vmem>>, %arg3: memref<2x2000x64xf32, #tpu.memory_space<vmem>>, %arg4: memref<2000x32xf32, #tpu.memory_space<vmem>>, %arg5: memref<1x128xf32, #tpu.memory_space<vmem>>, %arg6: memref<1x128x32xf32, #tpu.memory_space<vmem>>, %arg7: memref<1x2000x32xf32, #tpu.memory_space<vmem>>) attributes {dimension_semantics = [#tpu.dimension_semantics<arbitrary>, #tpu.dimension_semantics<arbitrary>], iteration_bounds = array<i64: 5, 2>, scalar_prefetch = 0 : i64, scratch_operands = 0 : i64, tpu.core_type = #tpu.core_type<tc>, window_params = [{transform_indices = @transform_0, window_bounds = array<i64: 2, 2000, 64>}, {transform_indices = @transform_1, window_bounds = array<i64: 2, 2000, 64>}, {transform_indices = @transform_2, window_bounds = array<i64: 2000, 32>}, {pipeline_mode = #tpu.pipeline_mode<synchronous>, transform_indices = @transform_3, window_bounds = array<i64: 1, 128>}, {transform_indices = @transform_4, window_bounds = array<i64: 1, 128, 32>}, {transform_indices = @transform_5, window_bounds = array<i64: 1, 2000, 32>}]} {
    %get3A = arith.constant 0 : index
    %get3A_0 = arith.constant 0 : index
    %get3A_1 = vector.load %arg4[%get3A, %get3A_0] : memref<2000x32xf32, #tpu.memory_space<vmem>>, vector<2000x32xf32>
    %reduce_sum3A = arith.constant dense<0.000000e+00> : vector<2000xf32>
    %reduce_sum3A_2 = vector.multi_reduction <add>, %get3A_1, %reduce_sum3A [1] : vector<2000x32xf32> to vector<2000xf32>
    %broadcast_in_dim3A = vector.shape_cast %reduce_sum3A_2 : vector<2000xf32> to vector<2000x1xf32>
    %add3A = arith.constant 1.000000e+00 : f32
    %add3A_3 = vector.broadcast %add3A : f32 to vector<2000x1xf32>
    %add3A_4 = arith.addf %add3A_3, %broadcast_in_dim3A : vector<2000x1xf32>
    %rsqrt3A = math.rsqrt %add3A_4 : vector<2000x1xf32>
    %get3A_5 = arith.constant 0 : index
    %get3A_6 = arith.constant 0 : index
    %get3A_7 = arith.constant 0 : index
    %get3A_8 = vector.load %arg2[%get3A_5, %get3A_6, %get3A_7] : memref<2x2000x64xf32, #tpu.memory_space<vmem>>, vector<1x2000x64xf32>
    %get3A_9 = vector.shape_cast %get3A_8 : vector<1x2000x64xf32> to vector<2000x64xf32>
    %get3A_10 = arith.constant 0 : index
    %get3A_11 = arith.constant 0 : index
    %get3A_12 = arith.constant 0 : index
    %get3A_13 = vector.load %arg3[%get3A_10, %get3A_11, %get3A_12] : memref<2x2000x64xf32, #tpu.memory_space<vmem>>, vector<1x2000x64xf32>
    %get3A_14 = vector.shape_cast %get3A_13 : vector<1x2000x64xf32> to vector<2000x64xf32>
    %add3A_15 = arith.addf %get3A_9, %get3A_14 : vector<2000x64xf32>
    %get3A_16 = arith.constant 1 : index
    %get3A_17 = arith.constant 0 : index
    %get3A_18 = arith.constant 0 : index
    %get3A_19 = vector.load %arg2[%get3A_16, %get3A_17, %get3A_18] : memref<2x2000x64xf32, #tpu.memory_space<vmem>>, vector<1x2000x64xf32>
    %get3A_20 = vector.shape_cast %get3A_19 : vector<1x2000x64xf32> to vector<2000x64xf32>
    %get3A_21 = arith.constant 1 : index
    %get3A_22 = arith.constant 0 : index
    %get3A_23 = arith.constant 0 : index
    %get3A_24 = vector.load %arg3[%get3A_21, %get3A_22, %get3A_23] : memref<2x2000x64xf32, #tpu.memory_space<vmem>>, vector<1x2000x64xf32>
    %get3A_25 = vector.shape_cast %get3A_24 : vector<1x2000x64xf32> to vector<2000x64xf32>
    %add3A_26 = arith.addf %get3A_20, %get3A_25 : vector<2000x64xf32>
    %concatenate3A = tpu.concatenate %add3A_15, %add3A_26 in 1 : vector<2000x64xf32>, vector<2000x64xf32> -> vector<2000x128xf32>
    %mul3A = vector.broadcast %rsqrt3A : vector<2000x1xf32> to vector<2000x128xf32>
    %mul3A_27 = arith.mulf %mul3A, %concatenate3A : vector<2000x128xf32>
    %get3A_28 = arith.constant 0 : index
    %get3A_29 = arith.constant 0 : index
    %get3A_30 = vector.load %arg5[%get3A_28, %get3A_29] : memref<1x128xf32, #tpu.memory_space<vmem>>, vector<1x128xf32>
    %add3A_31 = vector.broadcast %get3A_30 : vector<1x128xf32> to vector<2000x128xf32>
    %add3A_32 = arith.addf %mul3A_27, %add3A_31 : vector<2000x128xf32>
    %max3A = arith.constant 0.000000e+00 : f32
    %max3A_33 = vector.broadcast %max3A : f32 to vector<2000x128xf32>
    %max3A_34 = arith.maximumf %add3A_32, %max3A_33 : vector<2000x128xf32>
    %get3A_35 = arith.constant 0 : index
    %get3A_36 = arith.constant 0 : index
    %get3A_37 = arith.constant 0 : index
    %get3A_38 = vector.load %arg6[%get3A_35, %get3A_36, %get3A_37] : memref<1x128x32xf32, #tpu.memory_space<vmem>>, vector<1x128x32xf32>
    %get3A_39 = vector.shape_cast %get3A_38 : vector<1x128x32xf32> to vector<128x32xf32>
    %dot_general3A = arith.constant dense<0.000000e+00> : vector<2000x32xf32>
    %dot_general3A_40 = tpu.matmul %max3A_34, %get3A_39, %dot_general3A {dimension_numbers = #tpu.dot_dimension_numbers<[1], [0], [0], [1], [0, 0, 1, 1], [], []>, transpose_lhs_hint = false} : vector<2000x128xf32>, vector<128x32xf32>, vector<2000x32xf32> -> vector<2000x32xf32>
    %mul3A_41 = vector.broadcast %rsqrt3A : vector<2000x1xf32> to vector<2000x32xf32>
    %mul3A_42 = arith.mulf %dot_general3A_40, %mul3A_41 : vector<2000x32xf32>
    %swap3A = arith.constant 0 : index
    %swap3A_43 = arith.constant 0 : index
    %swap3A_44 = arith.constant 0 : index
    %swap3A_45 = vector.load %arg7[%swap3A, %swap3A_43, %swap3A_44] : memref<1x2000x32xf32, #tpu.memory_space<vmem>>, vector<1x2000x32xf32>
    %swap3A_46 = vector.shape_cast %swap3A_45 : vector<1x2000x32xf32> to vector<2000x32xf32>
    %swap3A_47 = vector.shape_cast %mul3A_42 : vector<2000x32xf32> to vector<1x2000x32xf32>
    tpu.vector_store %arg7[%swap3A, %swap3A_43, %swap3A_44], %swap3A_47 {strides = array<i32>} : memref<1x2000x32xf32, #tpu.memory_space<vmem>>, vector<1x2000x32xf32>,
    return
  }
  func.func @transform_0(%arg0: i32, %arg1: i32) -> (i32, i32, i32) {
    %c0_i32 = arith.constant 0 : i32
    %c0_i32_0 = arith.constant 0 : i32
    %c0_i32_1 = arith.constant 0 : i32
    return %c0_i32, %arg0, %c0_i32_0 : i32, i32, i32
  }
  func.func @transform_1(%arg0: i32, %arg1: i32) -> (i32, i32, i32) {
    %c0_i32 = arith.constant 0 : i32
    %c0_i32_0 = arith.constant 0 : i32
    %c0_i32_1 = arith.constant 0 : i32
    return %c0_i32, %arg0, %c0_i32_0 : i32, i32, i32
  }
  func.func @transform_2(%arg0: i32, %arg1: i32) -> (i32, i32) {
    %c0_i32 = arith.constant 0 : i32
    %c0_i32_0 = arith.constant 0 : i32
    return %arg0, %c0_i32 : i32, i32
  }
  func.func @transform_3(%arg0: i32, %arg1: i32) -> (i32, i32) {
    %c0_i32 = arith.constant 0 : i32
    %c0_i32_0 = arith.constant 0 : i32
    %c0_i32_1 = arith.constant 0 : i32
    return %c0_i32, %c0_i32_0 : i32, i32
  }
  func.func @transform_4(%arg0: i32, %arg1: i32) -> (i32, i32, i32) {
    %c0_i32 = arith.constant 0 : i32
    %c0_i32_0 = arith.constant 0 : i32
    %c0_i32_1 = arith.constant 0 : i32
    return %arg1, %c0_i32, %c0_i32_0 : i32, i32, i32
  }
  func.func @transform_5(%arg0: i32, %arg1: i32) -> (i32, i32, i32) {
    %c0_i32 = arith.constant 0 : i32
    %c0_i32_0 = arith.constant 0 : i32
    return %arg1, %arg0, %c0_i32 : i32, i32, i32
  }
}

module attributes {stable_mosaic.version = 14 : i64} {
  func.func @_final_body(%arg0: i32, %arg1: memref<2x2000x32xf32, #tpu.memory_space<vmem>>, %arg2: memref<2x2000x32xf32, #tpu.memory_space<vmem>>, %arg3: memref<2000x32xf32, #tpu.memory_space<vmem>>, %arg4: memref<1x64xf32, #tpu.memory_space<vmem>>, %arg5: memref<2000x64xf32, #tpu.memory_space<vmem>>) attributes {dimension_semantics = [#tpu.dimension_semantics<arbitrary>], iteration_bounds = array<i64: 5>, scalar_prefetch = 0 : i64, scratch_operands = 0 : i64, tpu.core_type = #tpu.core_type<tc>, window_params = [{transform_indices = @transform_0, window_bounds = array<i64: 2, 2000, 32>}, {transform_indices = @transform_1, window_bounds = array<i64: 2, 2000, 32>}, {transform_indices = @transform_2, window_bounds = array<i64: 2000, 32>}, {pipeline_mode = #tpu.pipeline_mode<synchronous>, transform_indices = @transform_3, window_bounds = array<i64: 1, 64>}, {transform_indices = @transform_4, window_bounds = array<i64: 2000, 64>}]} {
    %get3A = arith.constant 0 : index
    %get3A_0 = arith.constant 0 : index
    %get3A_1 = vector.load %arg3[%get3A, %get3A_0] : memref<2000x32xf32, #tpu.memory_space<vmem>>, vector<2000x32xf32>
    %reduce_sum3A = arith.constant dense<0.000000e+00> : vector<2000xf32>
    %reduce_sum3A_2 = vector.multi_reduction <add>, %get3A_1, %reduce_sum3A [1] : vector<2000x32xf32> to vector<2000xf32>
    %broadcast_in_dim3A = vector.shape_cast %reduce_sum3A_2 : vector<2000xf32> to vector<2000x1xf32>
    %add3A = arith.constant 1.000000e+00 : f32
    %add3A_3 = vector.broadcast %add3A : f32 to vector<2000x1xf32>
    %add3A_4 = arith.addf %add3A_3, %broadcast_in_dim3A : vector<2000x1xf32>
    %rsqrt3A = math.rsqrt %add3A_4 : vector<2000x1xf32>
    %get3A_5 = arith.constant 0 : index
    %get3A_6 = arith.constant 0 : index
    %get3A_7 = arith.constant 0 : index
    %get3A_8 = vector.load %arg1[%get3A_5, %get3A_6, %get3A_7] : memref<2x2000x32xf32, #tpu.memory_space<vmem>>, vector<1x2000x32xf32>
    %get3A_9 = vector.shape_cast %get3A_8 : vector<1x2000x32xf32> to vector<2000x32xf32>
    %get3A_10 = arith.constant 0 : index
    %get3A_11 = arith.constant 0 : index
    %get3A_12 = arith.constant 0 : index
    %get3A_13 = vector.load %arg2[%get3A_10, %get3A_11, %get3A_12] : memref<2x2000x32xf32, #tpu.memory_space<vmem>>, vector<1x2000x32xf32>
    %get3A_14 = vector.shape_cast %get3A_13 : vector<1x2000x32xf32> to vector<2000x32xf32>
    %add3A_15 = arith.addf %get3A_9, %get3A_14 : vector<2000x32xf32>
    %get3A_16 = arith.constant 1 : index
    %get3A_17 = arith.constant 0 : index
    %get3A_18 = arith.constant 0 : index
    %get3A_19 = vector.load %arg1[%get3A_16, %get3A_17, %get3A_18] : memref<2x2000x32xf32, #tpu.memory_space<vmem>>, vector<1x2000x32xf32>
    %get3A_20 = vector.shape_cast %get3A_19 : vector<1x2000x32xf32> to vector<2000x32xf32>
    %get3A_21 = arith.constant 1 : index
    %get3A_22 = arith.constant 0 : index
    %get3A_23 = arith.constant 0 : index
    %get3A_24 = vector.load %arg2[%get3A_21, %get3A_22, %get3A_23] : memref<2x2000x32xf32, #tpu.memory_space<vmem>>, vector<1x2000x32xf32>
    %get3A_25 = vector.shape_cast %get3A_24 : vector<1x2000x32xf32> to vector<2000x32xf32>
    %add3A_26 = arith.addf %get3A_20, %get3A_25 : vector<2000x32xf32>
    %concatenate3A = tpu.concatenate %add3A_15, %add3A_26 in 1 : vector<2000x32xf32>, vector<2000x32xf32> -> vector<2000x64xf32>
    %mul3A = vector.broadcast %rsqrt3A : vector<2000x1xf32> to vector<2000x64xf32>
    %mul3A_27 = arith.mulf %mul3A, %concatenate3A : vector<2000x64xf32>
    %get3A_28 = arith.constant 0 : index
    %get3A_29 = arith.constant 0 : index
    %get3A_30 = vector.load %arg4[%get3A_28, %get3A_29] : memref<1x64xf32, #tpu.memory_space<vmem>>, vector<1x64xf32>
    %add3A_31 = vector.broadcast %get3A_30 : vector<1x64xf32> to vector<2000x64xf32>
    %add3A_32 = arith.addf %mul3A_27, %add3A_31 : vector<2000x64xf32>
    %max3A = arith.constant 0.000000e+00 : f32
    %max3A_33 = vector.broadcast %max3A : f32 to vector<2000x64xf32>
    %max3A_34 = arith.maximumf %add3A_32, %max3A_33 : vector<2000x64xf32>
    %swap3A = arith.constant 0 : index
    %swap3A_35 = arith.constant 0 : index
    %swap3A_36 = vector.load %arg5[%swap3A, %swap3A_35] : memref<2000x64xf32, #tpu.memory_space<vmem>>, vector<2000x64xf32>
    tpu.vector_store %arg5[%swap3A, %swap3A_35], %max3A_34 {strides = array<i32>} : memref<2000x64xf32, #tpu.memory_space<vmem>>, vector<2000x64xf32>,
    return
  }
  func.func @transform_0(%arg0: i32) -> (i32, i32, i32) {
    %c0_i32 = arith.constant 0 : i32
    %c0_i32_0 = arith.constant 0 : i32
    %c0_i32_1 = arith.constant 0 : i32
    return %c0_i32, %arg0, %c0_i32_0 : i32, i32, i32
  }
  func.func @transform_1(%arg0: i32) -> (i32, i32, i32) {
    %c0_i32 = arith.constant 0 : i32
    %c0_i32_0 = arith.constant 0 : i32
    %c0_i32_1 = arith.constant 0 : i32
    return %c0_i32, %arg0, %c0_i32_0 : i32, i32, i32
  }
  func.func @transform_2(%arg0: i32) -> (i32, i32) {
    %c0_i32 = arith.constant 0 : i32
    %c0_i32_0 = arith.constant 0 : i32
    return %arg0, %c0_i32 : i32, i32
  }
  func.func @transform_3(%arg0: i32) -> (i32, i32) {
    %c0_i32 = arith.constant 0 : i32
    %c0_i32_0 = arith.constant 0 : i32
    %c0_i32_1 = arith.constant 0 : i32
    return %c0_i32, %c0_i32_0 : i32, i32
  }
  func.func @transform_4(%arg0: i32) -> (i32, i32) {
    %c0_i32 = arith.constant 0 : i32
    %c0_i32_0 = arith.constant 0 : i32
    return %arg0, %c0_i32 : i32, i32
  }
}

</mosaic_0001>

<sc_bundles>
// kernel: kernel.11.cloned.1.call-start
scs
__scs_entry_jumppad:
0x0: {  	(pc) =	sbr.rel $0x88, $3  }
0x1: {  	(tag) =	ssettag $0x0;
	lr =	simm.s32 $0x1  }
0x2: {  	[smem:$0x3F9B] =	sst lr;
	_ =	strace $0xD0000000  }
0x3: {  	_ = 	snop  }
0x4: {  	_ = 	snop  }
0x5: {  	_ = 	snop  }
0x6: {  	_ = 	snop  }
0x7: {  	_ = 	snop  }
__scs_overlays_trampoline_lowered:
0x8: {  	[smem:$0x3FAA] =	sst s0  }
0x9: {  	[smem:$0x3FAB] =	sst s1  }
0xa: {  	[smem:$0x3FAC] =	sst s2  }
0xb: {  	[smem:$0x3FAD] =	sst s3  }
0xc: {  	[smem:$0x3FAE] =	sst s4  }
0xd: {  	[smem:$0x3FAF] =	sst s5  }
0xe: {  	[smem:$0x3FB0] =	sst s6  }
0xf: {  	[smem:$0x3FB1] =	sst s7  }
0x10: {  	[smem:$0x3FB2] =	sst s8  }
0x11: {  	[smem:$0x3FB3] =	sst s9;
	s0 =	simm.s32 @!p0 $0x0  }
0x12: {  	s1 =	sld [smem:$0x3F99];
	s0 =	simm.s32 @p0 $0x1  }
0x13: {  	[smem:$0x3FB4] =	sst s0;
	s0 =	simm.s32 @!p1 $0x0  }
0x14: {  	s2 =	sld [smem:$0x3F98];
	s0 =	simm.s32 @p1 $0x1  }
0x15: {  	[smem:$0x3FB5] =	sst s0;
	s0 =	simm.s32 @!p2 $0x0  }
0x16: {  	s3 =	sld [smem:$0x3FDB];
	s0 =	simm.s32 @p2 $0x1  }
0x17: {  	s4 =	simm.s32 $0x1BF5;
	[smem:$0x3FB7] =	sst s0  }
0x18: {  	s0 =	sld [smem:$0x3F9A];
	_ =	swait.ge [sflag:s4], $0x0  }
0x19: {  	s7 =	sld [smem:$0x3F9B]  }
0x1a: {  	s8 =	sadd.s32 $0xFFFFE003, lr  }
0x1b: {  	s9 =	sadd.s32 $0xFFFFFEF7, lr;
	s5 =	simm.s32 $0xFFFFFFFF;
	p2 =	slt.u32 s8, $0xFFFFF086  }
0x1c: {  	p1 =	slt.u32 s9, $0xF7A;
	s5 =	simm.s32 @!p2 $0x0  }
0x1d: {  	s5 =	simm.s32 @p1 $0x1;
	p0 =	seq.s32 s7, s2  }
0x1e: {  	s7 =	smul.u32 @!p0 $0xF7A, s2;
	p2 =	seq.s32 @!p0 s5, $0x0  }
0x1f: {  	s9 =	smul.u32 $0xF7A, s1;
	s8 =	simm.s32 @!p0 $0x1BF5;
	p2 =	por !p2, p0  }
0x20: {  	[sflag:s8] =	ssyncset.s32 @!p0 $0xFFFFF086;
	s6 =	sadd.s32 @!p0 s3, s7;
	s7 =	simm.s32 @!p0 $0x108  }
0x21: {  	s3 =	sadd.s32 s3, s9;
	s6 =	sadd.s32 @!p0 $0x88, s6;
	s7 =	simm.s32 @p2 $0x1082  }
0x22: {  	[simem:s7], [sflag:s8] =	dma.local @!p0 [hbm:s6], $0xF7A  }
0x23: {  	s9 =	sor.u32 $0xD0000000, s2;
	s6 =	simm.s32 $0x108;
	_ =	swait.ge @!p0 [sflag:s8], $0x0  }
0x24: {  	s3 =	sadd.s32 $0x88, s3;
	s6 =	simm.s32 @!p1 $0x1082;
	[sflag:s4] =	ssyncset.s32 $0xFFFFF086  }
0x25: {  	[simem:s6], [sflag:s4] =	dma.local [hbm:s3], $0xF7A  }
0x26: {  	[smem:$0x3F9B] =	sst s1;
	(tag) =	ssettag s2;
	_ =	strace s9  }
0x27: {  	s1 =	sld [smem:$0x3FAB]  }
0x28: {  	s2 =	sld [smem:$0x3FAC]  }
0x29: {  	s4 =	sld [smem:$0x3FAE]  }
0x2a: {  	p0 =	seq.s32 s5, $0x0;
	s5 =	sld [smem:$0x3FAF]  }
0x2b: {  	s6 =	sld [smem:$0x3FB0]  }
0x2c: {  	s7 =	sld [smem:$0x3FB1]  }
0x2d: {  	s3 =	simm.s32 $0x108;
	s8 =	sld [smem:$0x3FB2]  }
0x2e: {  	s3 =	simm.s32 @!p0 $0x1082;
	s9 =	sld [smem:$0x3FB3]  }
0x2f: {  	lr =	sadd.s32 s0, s3;
	s0 =	sld [smem:$0x3FAA]  }
0x30: {  	s3 =	sld [smem:$0x3FAD]  }
0x31: {  	[smem:$0x3FB6] =	sst s10  }
0x32: {  	s10 =	sld [smem:$0x3FB4];
	_ =	sdelay $0x3  }
0x33: {  	p0 =	seq.s32 s10, $0x1;
	s10 =	sld [smem:$0x3FB6];
	_ =	sdelay $0x3  }
0x34: {  	[smem:$0x3FB6] =	sst s10  }
0x35: {  	s10 =	sld [smem:$0x3FB5];
	_ =	sdelay $0x3  }
0x36: {  	p1 =	seq.s32 s10, $0x1;
	s10 =	sld [smem:$0x3FB6];
	_ =	sdelay $0x3  }
0x37: {  	[smem:$0x3FB6] =	sst s10  }
0x38: {  	s10 =	sld [smem:$0x3FB7]  }
0x39: {  	_ = 	snop;
	(pc) =	sbr.ind lr, $3  }
0x3a: {  	_ = 	snop  }
0x3b: {  	_ = 	snop  }
0x3c: {  	p2 =	seq.s32 s10, $0x1;
	s10 =	sld [smem:$0x3FB6]  }
0x3d: {  	_ =	shalt  }
0x3e: {  	_ =	shalt  }
0x3f: {  	_ =	shalt  }
0x40: {  	_ =	shalt  }
0x41: {  	_ =	shalt  }
0x42: {  	_ =	shalt  }
0x43: {  	_ =	shalt  }
0x44: {  	_ =	shalt  }
0x45: {  	_ =	shalt  }
0x46: {  	_ =	shalt  }
0x47: {  	_ =	shalt  }
0x48: {  	_ =	shalt  }
0x49: {  	_ =	shalt  }
0x4a: {  	_ =	shalt  }
0x4b: {  	_ =	shalt  }
0x4c: {  	_ =	shalt  }
0x4d: {  	_ =	shalt  }
0x4e: {  	_ =	shalt  }
0x4f: {  	_ =	shalt  }
0x50: {  	_ =	shalt  }
0x51: {  	_ =	shalt  }
0x52: {  	_ =	shalt  }
0x53: {  	_ =	shalt  }
0x54: {  	_ =	shalt  }
0x55: {  	_ =	shalt  }
0x56: {  	_ =	shalt  }
0x57: {  	_ =	shalt  }
0x58: {  	_ =	shalt  }
0x59: {  	_ =	shalt  }
0x5a: {  	_ =	shalt  }
0x5b: {  	_ =	shalt  }
0x5c: {  	_ =	shalt  }
0x5d: {  	_ =	shalt  }
0x5e: {  	_ =	shalt  }
0x5f: {  	_ =	shalt  }
0x60: {  	_ =	shalt  }
0x61: {  	_ =	shalt  }
0x62: {  	_ =	shalt  }
0x63: {  	_ =	shalt  }
0x64: {  	_ =	shalt  }
0x65: {  	_ =	shalt  }
0x66: {  	_ =	shalt  }
0x67: {  	_ =	shalt  }
0x68: {  	_ =	shalt  }
0x69: {  	_ =	shalt  }
0x6a: {  	_ =	shalt  }
0x6b: {  	_ =	shalt  }
0x6c: {  	_ =	shalt  }
0x6d: {  	_ =	shalt  }
0x6e: {  	_ =	shalt  }
0x6f: {  	_ =	shalt  }
0x70: {  	_ =	shalt  }
0x71: {  	_ =	shalt  }
0x72: {  	_ =	shalt  }
0x73: {  	_ =	shalt  }
0x74: {  	_ =	shalt  }
0x75: {  	_ =	shalt  }
0x76: {  	_ =	shalt  }
0x77: {  	_ =	shalt  }
0x78: {  	_ =	shalt  }
0x79: {  	_ =	shalt  }
0x7a: {  	_ =	shalt  }
0x7b: {  	_ =	shalt  }
0x7c: {  	_ =	shalt  }
0x7d: {  	_ =	shalt  }
0x7e: {  	_ =	shalt  }
0x7f: {  	_ =	shalt  }
0x80: {  	_ =	shalt  }
0x81: {  	_ =	shalt  }
0x82: {  	_ =	shalt  }
0x83: {  	_ =	shalt  }
0x84: {  	_ =	shalt  }
0x85: {  	_ =	shalt  }
0x86: {  	_ =	shalt  }
0x87: {  	_ =	shalt  }
.Lfunc_end0:
.L_simem_size_0:
called_computation.1_lowered:
.L_overlay_start_0:
0x88: {  	s2 =	sld [smem:$0x3FD9]  }
0x89: {  	s3 =	sld [smem:$0x3FFE];
	_ =	sdelay $0x1  }
0x8a: {  	s1 =	srdreg.scid  }
0x8b: {  	s0 =	sand.u32 $0x1, s1  }
0x8c: {  	s16 =	sshll.u32 s0, $0xA;
	s2 =	sadd.s32 s3, s2  }
0x8d: {  	s2 =	sadd.s32 s2, s16  }
0x8e: {  	[smem:$0x3FC2] =	sst s2  }
0x8f: {  	_ = 	snop  }
0x90: {  	(tm) =	ssettm $0x1  }
0x91: {  	s17 =	sld [smem:$0x3FFB];
	_ =	sdelay $0x3  }
0x92: {  	_ =	strace s17  }
0x93: {  	s2 =	sld [smem:$0x3FFC];
	_ =	sdelay $0x3  }
0x94: {  	_ =	strace s2  }
0x95: {  	s2 =	sld [smem:$0x3FFD];
	_ =	sdelay $0x3  }
0x96: {  	_ =	strace s2  }
0x97: {  	_ =	strace $0x8FFFFFFF  }
0x98: {  	s18 =	sld [smem:$0x3FDB];
	_ =	sdelay $0x1  }
0x99: {  	s19 =	simm.s32 $_scs_section_size  }
0x9a: {  	s4 =	simm.s32 $_size__tile_overlayer_lowered;
	s5 =	simm.s32 $_tile_overlayer_lowered  }
0x9b: {  	s22 =	simm.s32 $0x1BFF;
	s21 =	sshll.u32 s5, $0x1;
	s2 =	sadd.s32 s19, s18  }
0x9c: {  	s6 =	simm.s32 $0x0;
	s20 =	sshll.u32 s4, $0x1;
	s4 =	sadd.s32 s21, s2  }
0x9d: {  	[timem:s6], [sflag:s22] =	dma.local [hbm:s4], s20  }
0x9e: {  	_ =	swait.ge [sflag:s22], s20  }
0x9f: {  	s3 =	ssub.s32 $0x0, s20;
	[sflag:s22] =	ssyncset.done $0x0  }
0xa0: {  	[sflag:s22] =	ssyncadd.s32 s3;
	_ =	sdelay $0x1  }
0xa1: {  	s23 =	simm.s32 $0x1B8B  }
0xa2: {  	_ =	swait.ge [sflag:s23], $0x1  }
0xa3: {  	[sflag:s23] =	ssyncset.done $0x0  }
0xa4: {  	s25 =	simm.s32 $0x1B8E;
	s24 =	sld [smem:$0x3FFE];
	[sflag:s23] =	ssyncadd.s32 $0xFFFFFFFF  }
0xa5: {  	s26 =	simm.s32 $execute0_lowered;
	[smem:$0x3FD2] =	sst s25  }
0xa6: {  	s4 =	sshll.u32 s26, $0x1;
	_ =	strace $0x80000049;
	[dreg:$0x1] =	wrdreg $0xFFFFFFFF  }
0xa7: {  	s28 =	simm.s32 $_size_execute0_lowered;
	s2 =	sadd.s32 s2, s4;
	[dreg:$0x0] =	wrdreg $0x0  }
0xa8: {  	s4 =	sshll.u32 s28, $0x1;
	[dreg:$0x2] =	wrdreg s2  }
0xa9: {  	[dreg:$0x3] =	wrdreg s4  }
0xaa: {  	[dreg:$0x4] =	wrdreg $0xC0  }
0xab: {  	_ =	task [dreg:s6], $0x5FFFF  }
0xac: {  	[dreg:$0x1] =	wrdreg $0xFFFFFFFF  }
0xad: {  	[dreg:$0x0] =	wrdreg $0x60  }
0xae: {  	[dreg:$0x2] =	wrdreg s24  }
0xaf: {  	[dreg:$0x3] =	wrdreg $0x84000  }
0xb0: {  	[dreg:$0x4] =	wrdreg $0x124000  }
0xb1: {  	[dreg:$0x5] =	wrdreg $0x9  }
0xb2: {  	_ =	task.clear_ibuf [dreg:s6], $0x6FFFF;
	_ =	strace $0x90000049  }
0xb3: {  	s29 =	simm.s32 $0x9;
	_ =	strace $0x8000004B  }
0xb4: {  	_ =	swait.ge [sflag:s29], $0x1  }
0xb5: {  	[sflag:s29] =	ssyncadd.s32 $0xFFFFFFFF  }
0xb6: {  	_ =	strace $0x9000004B  }
0xb7: {  	_ =	sfence  }
0xb8: {  	s30 =	sld [smem:$0x0];
	_ =	sdelay $0x2  }
0xb9: {  	s31 =	sshll.u32 s1, $0xD;
	s1 =	sshrl.u32 s1, $0x2  }
0xba: {  	s3 =	sand.u32 $0x4000, s31;
	s1 =	sadd.s32 s1, s30  }
0xbb: {  	s0 =	sor.u32 s3, s0;
	s1 =	sshll.u32 s1, $0x11  }
0xbc: {  	s0 =	sor.u32 s1, s0  }
0xbd: {  	s0 =	sadd.s32 $0x8F2B, s0  }
0xbe: {  	[sflag:s0] =	ssyncadd.remote.s32 $0x1  }
0xbf: {  	_ =	sfence.sel $0xFFFF  }
0xc0: {  	[dreg:$0x0] =	wrdreg $0xFFFFFFFF;
	(pc) =	sbr.abs _section_cstart, $3  }
0xc1: {  	[dreg:$0x1] =	wrdreg $0xFFFFFFFF  }
0xc2: {  	_ =	task.clear_ibuf [dreg:s6], $0x2FFFF;
	_ =	strace $0x9FFFFFFF  }
0xc3: {  	(tm) =	ssettm $0x7FFFFFFF  }
tec
execute0_lowered:
.L_overlay_start_1:
0x0: {  	(tag) =	ssettag $0x1  }
0x1: {  	s0 =	rddreg [dreg:$0x0]  }
0x2: {  	s2 =	rddreg [dreg:$0x1];
	s10 =	stileid.u32  }
0x3: {  	s1 =	srdreg.scid;
	s3 =	rddreg [dreg:$0x2];
	s4 =	simm.s32 $0x0  }
0x4: {  	s16 =	simm.s32 $0x9;
	s18 =	simm.s32 $0x100;
	s28 =	simm.s32 $0x4400  }
0x5: {  	s29 =	simm.s32 $0x8;
	s30 =	simm.s32 $0x6400;
	s31 =	simm.s32 $0x1  }
0x6: {  	s5 =	smul.u32 $0xA000, s10;
	s1 =	sand.u32 $0x1, s1;
	[smem:$0x7FF] =	sst s4  }
0x7: {  	s7 =	sadd.s32 $0xC400, s0;
	s20 =	sshll.u32 s10, $0x6;
	s21 =	smul.u32 $0x1400, s10  }
0x8: {  	s6 =	smul.u32 $0xA0000, s1;
	_ =	strace $0x8000004A;
	s1 =	ssub.s32 $0x2, s1  }
0x9: {  	s8 =	sshrl.u32 s5, $0x3;
	s19 =	sshrl.u32 s1, $0x1;
	s15 =	sadd.s32 s5, s2  }
0xa: {  	s14 =	sadd.s32 s21, s7;
	s21 =	simm.s32 $0x5;
	s6 =	sadd.s32 s5, s6  }
0xb: {  	s9 =	sadd.s32 s8, s0;
	s1 =	ssub.s32 s1, s19;
	s5 =	sadd.s32 s5, s3  }
0xc: {  	s8 =	sadd.s32 s7, s8;
	s26 =	sshrl.u32 s15, $0x3;
	s19 =	simm.s32 $0x200  }
0xd: {  	s7 =	simm.s32 $0x0;
	s6 =	sshrl.u32 s6, $0x3;
	s9 =	sadd.s32 $0xBF600, s9  }
0xe: {  	s22 =	sadd.s32 $0x20, s8;
	s23 =	sadd.s32 $0x40, s8;
	[dreg:$0xb] =	wrdreg s26  }
0xf: {  	s24 =	sadd.s32 $0x60, s8;
	s25 =	smax.u32 s1, $0x1;
	[dreg:$0x5] =	wrdreg s9  }
0x10: {  	s17 =	sshrl.u32 s5, $0x3;
	s26 =	simm.s32 $0x7;
	[dreg:$0x6] =	wrdreg s22  }
0x11: {  	s1 =	simm.s32 $0x3;
	s5 =	simm.s32 $0x380;
	[dreg:$0x7] =	wrdreg s23  }
.Ltmp0:
0x12: {  	s0 =	sadd.s32 s6, s0;
	[dreg:$0x8] =	wrdreg s24;
	(pc) =	sbr.rel .LBB2_1-.Ltmp0, $4  }
0x13: {  	s6 =	sor.u32 $0x1C09, s20;
	[dreg:$0xa] =	wrdreg s25;
	s20 =	simm.s32 $0x300  }
0x14: {  	s22 =	simm.s32 $0x80;
	s23 =	simm.s32 $0x400;
	s11 =	sadd.s32 $0x97600, s0  }
0x15: {  	s24 =	simm.s32 $0x6;
	s0 =	sadd.s32 $0xD3600, s0;
	[dreg:$0x4] =	wrdreg s11  }
0x16: {  	s25 =	simm.s32 $0x4;
	[dreg:$0x9] =	wrdreg s0;
	s0 =	simm.s32 $0x280  }
.LBB2_4:
0x17: {  	_ =	swait.ge [sflag:s25], $0x2000  }
0x18: {  	[sflag:s25] =	ssyncset.done $0x0  }
0x19: {  	[sflag:s25] =	ssyncadd.s32 $0xFFFFE000  }
0x1a: {  	[spmem:s3] =	stream.indirect.scatter.add.f32 [tilespmem:s30], [sflag:$0x9], $0x40, s5, s22, $0xb8;
	[tilespmem:$0x1C400] =	vst v63  }
0x1b: {  	_ =	swait.ge [sflag:s16], $0x2000  }
0x1c: {  	[sflag:s16] =	ssyncset.done $0x0  }
0x1d: {  	[sflag:s16] =	ssyncadd.s32 $0xFFFFE000  }
0x1e: {  	[bflag:$0x0] =	sbarrier.arrive $0xFFFF  }
0x1f: {  	s9 =	rddreg [dreg:$0x9]  }
0x20: {  	[hbm:s9], [sflag:s6] =	dma.local [spmem:s17], $0x1400  }
0x21: {  	_ =	swait.ge [sflag:s16], $0x1400  }
0x22: {  	s7 =	sadd.s32 $0x1, s7;
	s15 =	rddreg [dreg:$0xa]  }
0x23: {  	p0 =	sne.s32 s7, s15  }
.Ltmp1:
0x24: {  	_ = 	snop;
	(pc) =	sbr.rel @!p0 .LBB2_5-.Ltmp1, $3  }
0x25: {  	_ =	sdelay $0x1  }
0x26: {  	[sflag:s16] =	ssyncset.done $0x0  }
0x27: {  	[sflag:s16] =	ssyncadd.s32 $0xFFFFEC00  }
.LBB2_1:
0x28: {  	s9 =	rddreg [dreg:$0x4]  }
0x29: {  	s10 =	rddreg [dreg:$0xb]  }
0x2a: {  	[spmem:s10], [sflag:s6] =	dma.local [hbm:s9], $0x1400  }
0x2b: {  	_ =	swait.ge [sflag:s16], $0x1400  }
0x2c: {  	[sflag:s16] =	ssyncset.done $0x0  }
0x2d: {  	s10 =	rddreg [dreg:$0x5];
	[sflag:s16] =	ssyncadd.s32 $0xFFFFEC00  }
0x2e: {  	[spmem:s17], [sflag:s6] =	dma.local [hbm:s10], $0x1400  }
0x2f: {  	_ =	swait.ge [sflag:s16], $0x1400  }
0x30: {  	[sflag:s16] =	ssyncset.done $0x0  }
0x31: {  	[sflag:s16] =	ssyncadd.s32 $0xFFFFEC00  }
0x32: {  	[bflag:$0x0] =	sbarrier.arrive $0xFFFF  }
0x33: {  	[tilespmem:s4], [sflag:$0x5] =	stream.linear.gather [hbm4b:s8+s4], $0x100, $0x38;
	[tilespmem:$0x1C400] =	vst v63  }
0x34: {  	s11 =	rddreg [dreg:$0x6]  }
0x35: {  	[tilespmem:s18], [sflag:$0x6] =	stream.linear.gather [hbm4b:s11+s4], $0x100, $0x38;
	[tilespmem:$0x1C400] =	vst v63  }
0x36: {  	s12 =	rddreg [dreg:$0x7]  }
0x37: {  	[tilespmem:s19], [sflag:$0x7] =	stream.linear.gather [hbm4b:s12+s4], $0x100, $0x38;
	[tilespmem:$0x1C400] =	vst v63  }
0x38: {  	s13 =	rddreg [dreg:$0x8]  }
0x39: {  	[tilespmem:s20], [sflag:$0x8] =	stream.linear.gather [hbm4b:s13+s4], $0x100, $0x38;
	[tilespmem:$0x1C400] =	vst v63  }
0x3a: {  	_ =	swait.ge [sflag:s21], $0x100  }
0x3b: {  	[sflag:s21] =	ssyncset.done $0x0  }
0x3c: {  	[sflag:s21] =	ssyncadd.s32 $0xFFFFFF00  }
0x3d: {  	[tilespmem:s23], [sflag:$0x1] =	stream.indirect.gather [spmem:s2], $0x40, s4, s22, $0xb8;
	[tilespmem:$0x1C400] =	vst v63  }
0x3e: {  	_ =	swait.ge [sflag:s24], $0x100  }
0x3f: {  	[sflag:s24] =	ssyncset.done $0x0  }
0x40: {  	s15 =	simm.s32 $0x2400;
	[sflag:s24] =	ssyncadd.s32 $0xFFFFFF00  }
0x41: {  	[tilespmem:s15], [sflag:$0x2] =	stream.indirect.gather [spmem:s2], $0x40, s18, s22, $0xb8;
	[tilespmem:$0x1C400] =	vst v63  }
0x42: {  	_ =	swait.ge [sflag:s26], $0x100  }
0x43: {  	[sflag:s26] =	ssyncset.done $0x0  }
0x44: {  	s9 =	simm.s32 $0xFFFFEC80;
	[sflag:s26] =	ssyncadd.s32 $0xFFFFFF00  }
0x45: {  	[tilespmem:s28], [sflag:$0x3] =	stream.indirect.gather [spmem:s2], $0x40, s19, s22, $0xb8;
	[tilespmem:$0x1C400] =	vst v63  }
.LBB2_2:
0x46: {  	_ =	swait.ge [sflag:s29], $0x100  }
0x47: {  	[sflag:s29] =	ssyncset.done $0x0  }
0x48: {  	[sflag:s29] =	ssyncadd.s32 $0xFFFFFF00  }
0x49: {  	[tilespmem:s30], [sflag:$0x4] =	stream.indirect.gather [spmem:s2], $0x40, s20, s22, $0xb8;
	[tilespmem:$0x1C400] =	vst v63  }
0x4a: {  	_ =	swait.ge [sflag:s31], $0x2000  }
0x4b: {  	[sflag:s31] =	ssyncset.done $0x0  }
0x4c: {  	[sflag:s31] =	ssyncadd.s32 $0xFFFFE000  }
0x4d: {  	[spmem:s3] =	stream.indirect.scatter.add.f32 [tilespmem:s23], [sflag:$0x9], $0x40, s22, s22, $0xb8;
	[tilespmem:$0x1C400] =	vst v63  }
0x4e: {  	_ =	swait.ge [sflag:s16], $0x2000  }
0x4f: {  	p0 =	seq.s32 s9, $0x0;
	[sflag:s16] =	ssyncset.done $0x0  }
0x50: {  	s10 =	simm.s32 @p0 $0x2;
	[sflag:s16] =	ssyncadd.s32 $0xFFFFE000  }
0x51: {  	_ =	swait.ge @p0 [sflag:s10], $0x2000  }
0x52: {  	s11 =	simm.s32 @p0 $0x180;
	[sflag:s10] =	ssyncset.done @p0 $0x0  }
0x53: {  	s12 =	simm.s32 @p0 $0x2400;
	[sflag:s10] =	ssyncadd.s32 @p0 $0xFFFFE000;
	s10 =	simm.s32 @p0 $0x80  }
0x54: {  	[spmem:s3] =	stream.indirect.scatter.add.f32 @p0 [tilespmem:s12], [sflag:$0x9], $0x40, s11, s10, $0xb8;
	[tilespmem:$0x1C400] =	vst v63  }
0x55: {  	s10 =	simm.s32 @p0 $0x9  }
0x56: {  	_ =	swait.ge @p0 [sflag:s10], $0x2000  }
0x57: {  	s11 =	sadd.s32 @!p0 s9, s14;
	[sflag:s10] =	ssyncset.done @p0 $0x0  }
0x58: {  	s12 =	simm.s32 @!p0 $0x0;
	[sflag:s10] =	ssyncadd.s32 @p0 $0xFFFFE000;
	s10 =	sadd.s32 @!p0 $0x1400, s11  }
0x59: {  	[tilespmem:s12], [sflag:$0x5] =	stream.linear.gather @!p0 [hbm4b:s10+s12], $0x100, $0x38;
	[tilespmem:$0x1C400] =	vst v63  }
0x5a: {  	s10 =	simm.s32 @!p0 $0x5  }
0x5b: {  	_ =	swait.ge @!p0 [sflag:s10], $0x100  }
0x5c: {  	[sflag:s10] =	ssyncset.done @!p0 $0x0  }
0x5d: {  	s13 =	simm.s32 @!p0 $0x400;
	[sflag:s10] =	ssyncadd.s32 @!p0 $0xFFFFFF00;
	s10 =	simm.s32 @!p0 $0x80  }
0x5e: {  	[tilespmem:s13], [sflag:$0x1] =	stream.indirect.gather @!p0 [spmem:s2], $0x40, s12, s10, $0xb8;
	[tilespmem:$0x1C400] =	vst v63  }
0x5f: {  	s13 =	simm.s32 @!p0 $0x2  }
0x60: {  	_ =	swait.ge @!p0 [sflag:s13], $0x2000  }
0x61: {  	[sflag:s13] =	ssyncset.done @!p0 $0x0  }
0x62: {  	s15 =	simm.s32 @!p0 $0x2400;
	[sflag:s13] =	ssyncadd.s32 @!p0 $0xFFFFE000;
	s13 =	simm.s32 @!p0 $0x180  }
0x63: {  	[spmem:s3] =	stream.indirect.scatter.add.f32 @!p0 [tilespmem:s15], [sflag:$0x9], $0x40, s13, s10, $0xb8;
	[tilespmem:$0x1C400] =	vst v63  }
0x64: {  	s13 =	simm.s32 @!p0 $0x9  }
0x65: {  	_ =	swait.ge @!p0 [sflag:s13], $0x2000  }
0x66: {  	[sflag:s13] =	ssyncset.done @!p0 $0x0  }
0x67: {  	s11 =	sadd.s32 @!p0 $0x1420, s11;
	[sflag:s13] =	ssyncadd.s32 @!p0 $0xFFFFE000;
	s13 =	simm.s32 @!p0 $0x100  }
0x68: {  	[tilespmem:s13], [sflag:$0x6] =	stream.linear.gather @!p0 [hbm4b:s11+s12], $0x100, $0x38;
	[tilespmem:$0x1C400] =	vst v63  }
0x69: {  	s11 =	simm.s32 @!p0 $0x6  }
0x6a: {  	_ =	swait.ge @!p0 [sflag:s11], $0x100  }
0x6b: {  	[sflag:s11] =	ssyncset.done @!p0 $0x0  }
0x6c: {  	[sflag:s11] =	ssyncadd.s32 @!p0 $0xFFFFFF00  }
0x6d: {  	[tilespmem:s15], [sflag:$0x2] =	stream.indirect.gather @!p0 [spmem:s2], $0x40, s13, s10, $0xb8;
	[tilespmem:$0x1C400] =	vst v63  }
0x6e: {  	_ =	swait.ge [sflag:s1], $0x2000  }
0x6f: {  	[sflag:s1] =	ssyncset.done $0x0  }
.Ltmp2:
0x70: {  	[sflag:s1] =	ssyncadd.s32 $0xFFFFE000;
	(pc) =	sbr.rel @p0 .LBB2_4-.Ltmp2, $4  }
0x71: {  	[spmem:s3] =	stream.indirect.scatter.add.f32 [tilespmem:s28], [sflag:$0x9], $0x40, s0, s22, $0xb8;
	[tilespmem:$0x1C400] =	vst v63  }
0x72: {  	_ =	swait.ge [sflag:s16], $0x2000  }
0x73: {  	[sflag:s16] =	ssyncset.done $0x0  }
0x74: {  	[sflag:s16] =	ssyncadd.s32 $0xFFFFE000  }
0x75: {  	s10 =	sadd.s32 s9, s14  }
0x76: {  	s11 =	sadd.s32 $0x1440, s10  }
0x77: {  	[tilespmem:s19], [sflag:$0x7] =	stream.linear.gather [hbm4b:s11+s4], $0x100, $0x38;
	[tilespmem:$0x1C400] =	vst v63  }
0x78: {  	_ =	swait.ge [sflag:s26], $0x100  }
0x79: {  	[sflag:s26] =	ssyncset.done $0x0  }
0x7a: {  	[sflag:s26] =	ssyncadd.s32 $0xFFFFFF00  }
0x7b: {  	[tilespmem:s28], [sflag:$0x3] =	stream.indirect.gather [spmem:s2], $0x40, s19, s22, $0xb8;
	[tilespmem:$0x1C400] =	vst v63  }
0x7c: {  	_ =	swait.ge [sflag:s25], $0x2000  }
0x7d: {  	[sflag:s25] =	ssyncset.done $0x0  }
0x7e: {  	[sflag:s25] =	ssyncadd.s32 $0xFFFFE000  }
0x7f: {  	[spmem:s3] =	stream.indirect.scatter.add.f32 [tilespmem:s30], [sflag:$0x9], $0x40, s5, s22, $0xb8;
	[tilespmem:$0x1C400] =	vst v63  }
.Ltmp3:
0x80: {  	_ = 	snop;
	(pc) =	sbr.rel .LBB2_2-.Ltmp3, $4  }
0x81: {  	_ =	swait.ge [sflag:s16], $0x2000  }
0x82: {  	[sflag:s16] =	ssyncset.done $0x0  }
0x83: {  	s9 =	sadd.s32 $0x80, s9;
	s10 =	sadd.s32 $0x1460, s10;
	[sflag:s16] =	ssyncadd.s32 $0xFFFFE000  }
0x84: {  	[tilespmem:s20], [sflag:$0x8] =	stream.linear.gather [hbm4b:s10+s4], $0x100, $0x38;
	[tilespmem:$0x1C400] =	vst v63  }
.LBB2_5:
0x85: {  	_ =	sfence.sel $0x180000  }
0x86: {  	[bflag:$0x0] =	sbarrier.arrive $0xFFFF  }
0x87: {  	_ =	strace $0x9000004A  }
0x88: {  	s0 =	stileid.u32;
	[bflag:$0x2] =	sbarrier.arrive $0xFFFF  }
0x89: {  	p0 =	sne.s32 s0, $0x0;
	s0 =	rddreg [dreg:$0x3]  }
0x8a: {  	s0 =	sadd.s32 @!p0 $0x100000, s0  }
0x8b: {  	[sflag:s0] =	ssyncadd.tile.s32 @!p0 $0x1;
	_ =	shalt  }
.Lfunc_end2:
_tile_overlayer_lowered:
.L_overlay_start_2:
0x8c: {  	(tag) =	ssettag $0x2  }
0x8d: {  	s0 =	rddreg [dreg:$0x0];
	s2 =	stileid.u32  }
0x8e: {  	s1 =	rddreg [dreg:$0x1];
	p0 =	sne.s32 s2, $0x0  }
0x8f: {  	s3 =	rddreg [dreg:$0x2];
	[bflag:$0x3] =	sbarrier.arrive $0xFFFF;
	s2 =	simm.s32 @!p0 $0x1C09  }
0x90: {  	[timem:s3], [sflag:s2] =	dma.local @!p0 [hbm:s0], s1  }
0x91: {  	s0 =	simm.s32 @!p0 $0x9  }
0x92: {  	_ =	swait.ge @!p0 [sflag:s0], s1  }
0x93: {  	s1 =	ssub.s32 @!p0 $0x0, s1;
	[sflag:s0] =	ssyncset.done @!p0 $0x0  }
0x94: {  	[sflag:s0] =	ssyncadd.s32 @!p0 s1  }
0x95: {  	[bflag:$0x3] =	sbarrier.arrive $0xFFFF  }
0x96: {  	_ =	shalt  }

// kernel: kernel.14.cloned.1.call-start
scs
__scs_entry_jumppad:
0x0: {  	(pc) =	sbr.rel $0x88, $3  }
0x1: {  	(tag) =	ssettag $0x0;
	lr =	simm.s32 $0x1  }
0x2: {  	[smem:$0x3F9B] =	sst lr;
	_ =	strace $0xD0000000  }
0x3: {  	_ = 	snop  }
0x4: {  	_ = 	snop  }
0x5: {  	_ = 	snop  }
0x6: {  	_ = 	snop  }
0x7: {  	_ = 	snop  }
__scs_overlays_trampoline_lowered:
0x8: {  	[smem:$0x3FAA] =	sst s0  }
0x9: {  	[smem:$0x3FAB] =	sst s1  }
0xa: {  	[smem:$0x3FAC] =	sst s2  }
0xb: {  	[smem:$0x3FAD] =	sst s3  }
0xc: {  	[smem:$0x3FAE] =	sst s4  }
0xd: {  	[smem:$0x3FAF] =	sst s5  }
0xe: {  	[smem:$0x3FB0] =	sst s6  }
0xf: {  	[smem:$0x3FB1] =	sst s7  }
0x10: {  	[smem:$0x3FB2] =	sst s8  }
0x11: {  	[smem:$0x3FB3] =	sst s9;
	s0 =	simm.s32 @!p0 $0x0  }
0x12: {  	s1 =	sld [smem:$0x3F99];
	s0 =	simm.s32 @p0 $0x1  }
0x13: {  	[smem:$0x3FB4] =	sst s0;
	s0 =	simm.s32 @!p1 $0x0  }
0x14: {  	s2 =	sld [smem:$0x3F98];
	s0 =	simm.s32 @p1 $0x1  }
0x15: {  	[smem:$0x3FB5] =	sst s0;
	s0 =	simm.s32 @!p2 $0x0  }
0x16: {  	s3 =	sld [smem:$0x3FDB];
	s0 =	simm.s32 @p2 $0x1  }
0x17: {  	s4 =	simm.s32 $0x1BF5;
	[smem:$0x3FB7] =	sst s0  }
0x18: {  	s0 =	sld [smem:$0x3F9A];
	_ =	swait.ge [sflag:s4], $0x0  }
0x19: {  	s7 =	sld [smem:$0x3F9B]  }
0x1a: {  	s8 =	sadd.s32 $0xFFFFE003, lr  }
0x1b: {  	s9 =	sadd.s32 $0xFFFFFEF7, lr;
	s5 =	simm.s32 $0xFFFFFFFF;
	p2 =	slt.u32 s8, $0xFFFFF086  }
0x1c: {  	p1 =	slt.u32 s9, $0xF7A;
	s5 =	simm.s32 @!p2 $0x0  }
0x1d: {  	s5 =	simm.s32 @p1 $0x1;
	p0 =	seq.s32 s7, s2  }
0x1e: {  	s7 =	smul.u32 @!p0 $0xF7A, s2;
	p2 =	seq.s32 @!p0 s5, $0x0  }
0x1f: {  	s9 =	smul.u32 $0xF7A, s1;
	s8 =	simm.s32 @!p0 $0x1BF5;
	p2 =	por !p2, p0  }
0x20: {  	[sflag:s8] =	ssyncset.s32 @!p0 $0xFFFFF086;
	s6 =	sadd.s32 @!p0 s3, s7;
	s7 =	simm.s32 @!p0 $0x108  }
0x21: {  	s3 =	sadd.s32 s3, s9;
	s6 =	sadd.s32 @!p0 $0x88, s6;
	s7 =	simm.s32 @p2 $0x1082  }
0x22: {  	[simem:s7], [sflag:s8] =	dma.local @!p0 [hbm:s6], $0xF7A  }
0x23: {  	s9 =	sor.u32 $0xD0000000, s2;
	s6 =	simm.s32 $0x108;
	_ =	swait.ge @!p0 [sflag:s8], $0x0  }
0x24: {  	s3 =	sadd.s32 $0x88, s3;
	s6 =	simm.s32 @!p1 $0x1082;
	[sflag:s4] =	ssyncset.s32 $0xFFFFF086  }
0x25: {  	[simem:s6], [sflag:s4] =	dma.local [hbm:s3], $0xF7A  }
0x26: {  	[smem:$0x3F9B] =	sst s1;
	(tag) =	ssettag s2;
	_ =	strace s9  }
0x27: {  	s1 =	sld [smem:$0x3FAB]  }
0x28: {  	s2 =	sld [smem:$0x3FAC]  }
0x29: {  	s4 =	sld [smem:$0x3FAE]  }
0x2a: {  	p0 =	seq.s32 s5, $0x0;
	s5 =	sld [smem:$0x3FAF]  }
0x2b: {  	s6 =	sld [smem:$0x3FB0]  }
0x2c: {  	s7 =	sld [smem:$0x3FB1]  }
0x2d: {  	s3 =	simm.s32 $0x108;
	s8 =	sld [smem:$0x3FB2]  }
0x2e: {  	s3 =	simm.s32 @!p0 $0x1082;
	s9 =	sld [smem:$0x3FB3]  }
0x2f: {  	lr =	sadd.s32 s0, s3;
	s0 =	sld [smem:$0x3FAA]  }
0x30: {  	s3 =	sld [smem:$0x3FAD]  }
0x31: {  	[smem:$0x3FB6] =	sst s10  }
0x32: {  	s10 =	sld [smem:$0x3FB4];
	_ =	sdelay $0x3  }
0x33: {  	p0 =	seq.s32 s10, $0x1;
	s10 =	sld [smem:$0x3FB6];
	_ =	sdelay $0x3  }
0x34: {  	[smem:$0x3FB6] =	sst s10  }
0x35: {  	s10 =	sld [smem:$0x3FB5];
	_ =	sdelay $0x3  }
0x36: {  	p1 =	seq.s32 s10, $0x1;
	s10 =	sld [smem:$0x3FB6];
	_ =	sdelay $0x3  }
0x37: {  	[smem:$0x3FB6] =	sst s10  }
0x38: {  	s10 =	sld [smem:$0x3FB7]  }
0x39: {  	_ = 	snop;
	(pc) =	sbr.ind lr, $3  }
0x3a: {  	_ = 	snop  }
0x3b: {  	_ = 	snop  }
0x3c: {  	p2 =	seq.s32 s10, $0x1;
	s10 =	sld [smem:$0x3FB6]  }
0x3d: {  	_ =	shalt  }
0x3e: {  	_ =	shalt  }
0x3f: {  	_ =	shalt  }
0x40: {  	_ =	shalt  }
0x41: {  	_ =	shalt  }
0x42: {  	_ =	shalt  }
0x43: {  	_ =	shalt  }
0x44: {  	_ =	shalt  }
0x45: {  	_ =	shalt  }
0x46: {  	_ =	shalt  }
0x47: {  	_ =	shalt  }
0x48: {  	_ =	shalt  }
0x49: {  	_ =	shalt  }
0x4a: {  	_ =	shalt  }
0x4b: {  	_ =	shalt  }
0x4c: {  	_ =	shalt  }
0x4d: {  	_ =	shalt  }
0x4e: {  	_ =	shalt  }
0x4f: {  	_ =	shalt  }
0x50: {  	_ =	shalt  }
0x51: {  	_ =	shalt  }
0x52: {  	_ =	shalt  }
0x53: {  	_ =	shalt  }
0x54: {  	_ =	shalt  }
0x55: {  	_ =	shalt  }
0x56: {  	_ =	shalt  }
0x57: {  	_ =	shalt  }
0x58: {  	_ =	shalt  }
0x59: {  	_ =	shalt  }
0x5a: {  	_ =	shalt  }
0x5b: {  	_ =	shalt  }
0x5c: {  	_ =	shalt  }
0x5d: {  	_ =	shalt  }
0x5e: {  	_ =	shalt  }
0x5f: {  	_ =	shalt  }
0x60: {  	_ =	shalt  }
0x61: {  	_ =	shalt  }
0x62: {  	_ =	shalt  }
0x63: {  	_ =	shalt  }
0x64: {  	_ =	shalt  }
0x65: {  	_ =	shalt  }
0x66: {  	_ =	shalt  }
0x67: {  	_ =	shalt  }
0x68: {  	_ =	shalt  }
0x69: {  	_ =	shalt  }
0x6a: {  	_ =	shalt  }
0x6b: {  	_ =	shalt  }
0x6c: {  	_ =	shalt  }
0x6d: {  	_ =	shalt  }
0x6e: {  	_ =	shalt  }
0x6f: {  	_ =	shalt  }
0x70: {  	_ =	shalt  }
0x71: {  	_ =	shalt  }
0x72: {  	_ =	shalt  }
0x73: {  	_ =	shalt  }
0x74: {  	_ =	shalt  }
0x75: {  	_ =	shalt  }
0x76: {  	_ =	shalt  }
0x77: {  	_ =	shalt  }
0x78: {  	_ =	shalt  }
0x79: {  	_ =	shalt  }
0x7a: {  	_ =	shalt  }
0x7b: {  	_ =	shalt  }
0x7c: {  	_ =	shalt  }
0x7d: {  	_ =	shalt  }
0x7e: {  	_ =	shalt  }
0x7f: {  	_ =	shalt  }
0x80: {  	_ =	shalt  }
0x81: {  	_ =	shalt  }
0x82: {  	_ =	shalt  }
0x83: {  	_ =	shalt  }
0x84: {  	_ =	shalt  }
0x85: {  	_ =	shalt  }
0x86: {  	_ =	shalt  }
0x87: {  	_ =	shalt  }
.Lfunc_end0:
.L_simem_size_0:
called_computation.2_lowered:
.L_overlay_start_0:
0x88: {  	s2 =	sld [smem:$0x3FD9]  }
0x89: {  	s3 =	sld [smem:$0x3FFE];
	_ =	sdelay $0x1  }
0x8a: {  	s1 =	srdreg.scid  }
0x8b: {  	s0 =	sand.u32 $0x1, s1  }
0x8c: {  	s17 =	sshll.u32 s0, $0xA;
	s2 =	sadd.s32 s3, s2  }
0x8d: {  	s2 =	sadd.s32 s2, s17  }
0x8e: {  	[smem:$0x3FC2] =	sst s2  }
0x8f: {  	_ = 	snop  }
0x90: {  	s2 =	sld [smem:$0x3FD0];
	(tm) =	ssettm $0x1  }
0x91: {  	s18 =	sld [smem:$0x3FFB];
	_ =	sdelay $0x3  }
0x92: {  	_ =	strace s18  }
0x93: {  	s3 =	sld [smem:$0x3FFC];
	_ =	sdelay $0x3  }
0x94: {  	_ =	strace s3  }
0x95: {  	s3 =	sld [smem:$0x3FFD];
	_ =	sdelay $0x3  }
0x96: {  	_ =	strace s3  }
0x97: {  	_ =	strace $0x8FFFFFFF  }
0x98: {  	s19 =	sld [smem:$0x3FDB];
	_ =	sdelay $0x1  }
0x99: {  	s4 =	simm.s32 $_scs_section_size  }
0x9a: {  	s5 =	simm.s32 $_size__tile_overlayer_lowered;
	s6 =	simm.s32 $_tile_overlayer_lowered  }
0x9b: {  	s22 =	simm.s32 $0x1BFF;
	s21 =	sshll.u32 s6, $0x1;
	s3 =	sadd.s32 s4, s19  }
0x9c: {  	s7 =	simm.s32 $0x0;
	s20 =	sshll.u32 s5, $0x1;
	s5 =	sadd.s32 s21, s3  }
0x9d: {  	[timem:s7], [sflag:s22] =	dma.local [hbm:s5], s20  }
0x9e: {  	_ =	swait.ge [sflag:s22], s20  }
0x9f: {  	s4 =	ssub.s32 $0x0, s20;
	[sflag:s22] =	ssyncset.done $0x0  }
0xa0: {  	[sflag:s22] =	ssyncadd.s32 s4;
	_ =	sdelay $0x1  }
0xa1: {  	s23 =	simm.s32 $0x1B8B  }
0xa2: {  	_ =	swait.ge [sflag:s23], $0x1  }
0xa3: {  	[sflag:s23] =	ssyncset.done $0x0  }
0xa4: {  	s25 =	simm.s32 $0x1B8E;
	s24 =	sld [smem:$0x3FFE];
	[sflag:s23] =	ssyncadd.s32 $0xFFFFFFFF  }
0xa5: {  	s26 =	simm.s32 $execute0_lowered;
	[smem:$0x3FD2] =	sst s25  }
0xa6: {  	s5 =	sshll.u32 s26, $0x1;
	_ =	strace $0x8000004C;
	[dreg:$0x1] =	wrdreg $0xFFFFFFFF  }
0xa7: {  	s28 =	simm.s32 $_size_execute0_lowered;
	s3 =	sadd.s32 s3, s5;
	[dreg:$0x0] =	wrdreg $0x0  }
0xa8: {  	s5 =	sshll.u32 s28, $0x1;
	[dreg:$0x2] =	wrdreg s3  }
0xa9: {  	[dreg:$0x3] =	wrdreg s5  }
0xaa: {  	[dreg:$0x4] =	wrdreg $0xC0  }
0xab: {  	_ =	task [dreg:s7], $0x5FFFF  }
0xac: {  	[dreg:$0x1] =	wrdreg $0xFFFFFFFF  }
0xad: {  	[dreg:$0x0] =	wrdreg $0x60  }
0xae: {  	[dreg:$0x2] =	wrdreg s24  }
0xaf: {  	[dreg:$0x3] =	wrdreg s2  }
0xb0: {  	[dreg:$0x4] =	wrdreg $0x44000  }
0xb1: {  	[dreg:$0x5] =	wrdreg $0x94000  }
0xb2: {  	[dreg:$0x6] =	wrdreg $0x9  }
0xb3: {  	_ =	task.clear_ibuf [dreg:s7], $0x7FFFF;
	_ =	strace $0x9000004C  }
0xb4: {  	s29 =	simm.s32 $0x9;
	_ =	strace $0x8000004E  }
0xb5: {  	_ =	swait.ge [sflag:s29], $0x1  }
0xb6: {  	[sflag:s29] =	ssyncadd.s32 $0xFFFFFFFF  }
0xb7: {  	_ =	strace $0x9000004E  }
0xb8: {  	_ =	sfence  }
0xb9: {  	s30 =	sld [smem:$0x0];
	_ =	sdelay $0x2  }
0xba: {  	s31 =	sshll.u32 s1, $0xD;
	s1 =	sshrl.u32 s1, $0x2  }
0xbb: {  	s3 =	sand.u32 $0x4000, s31;
	s1 =	sadd.s32 s1, s30  }
0xbc: {  	s0 =	sor.u32 s3, s0;
	s1 =	sshll.u32 s1, $0x11  }
0xbd: {  	s0 =	sor.u32 s1, s0  }
0xbe: {  	s0 =	sadd.s32 $0x8F2B, s0  }
0xbf: {  	[sflag:s0] =	ssyncadd.remote.s32 $0x1  }
0xc0: {  	_ =	sfence.sel $0xFFFF  }
0xc1: {  	[dreg:$0x0] =	wrdreg $0xFFFFFFFF;
	(pc) =	sbr.abs _section_cstart, $3  }
0xc2: {  	[dreg:$0x1] =	wrdreg $0xFFFFFFFF  }
0xc3: {  	_ =	task.clear_ibuf [dreg:s7], $0x2FFFF;
	_ =	strace $0x9FFFFFFF  }
0xc4: {  	(tm) =	ssettm $0x7FFFFFFF  }
0xc5: {  	_ =	shalt  }
tec
execute0_lowered:
.L_overlay_start_1:
0x0: {  	(tag) =	ssettag $0x1  }
0x1: {  	s0 =	rddreg [dreg:$0x0]  }
0x2: {  	s1 =	rddreg [dreg:$0x1];
	s3 =	srdreg.scid  }
0x3: {  	s10 =	stileid.u32;
	s2 =	rddreg [dreg:$0x2]  }
0x4: {  	s4 =	simm.s32 $0x0;
	s16 =	simm.s32 $0x9;
	s18 =	simm.s32 $0x100  }
0x5: {  	s28 =	simm.s32 $0x2400;
	s29 =	simm.s32 $0x8;
	s30 =	simm.s32 $0x3400  }
0x6: {  	s5 =	sand.u32 $0x1, s3;
	s7 =	smul.u32 $0x5000, s10;
	s3 =	rddreg [dreg:$0x3]  }
0x7: {  	s31 =	simm.s32 $0x1;
	[smem:$0x7FF] =	sst s4;
	s8 =	smul.u32 $0xA000, s10  }
0x8: {  	s9 =	sadd.s32 $0xC400, s0;
	s20 =	sshll.u32 s10, $0x6;
	s21 =	smul.u32 $0x1400, s10  }
0x9: {  	s6 =	smul.u32 $0x50000, s5;
	_ =	strace $0x8000004D;
	s5 =	ssub.s32 $0x2, s5  }
0xa: {  	s19 =	sshrl.u32 s5, $0x1;
	s15 =	sadd.s32 s7, s2;
	s17 =	sadd.s32 s7, s3  }
0xb: {  	s8 =	sshrl.u32 s8, $0x3;
	s14 =	sadd.s32 s21, s9;
	s21 =	simm.s32 $0x5  }
0xc: {  	s6 =	sadd.s32 s7, s6;
	s5 =	ssub.s32 s5, s19;
	s7 =	sshrl.u32 s7, $0x3  }
0xd: {  	s8 =	sadd.s32 s9, s8;
	s26 =	sshrl.u32 s15, $0x3;
	s17 =	sshrl.u32 s17, $0x3  }
0xe: {  	s19 =	simm.s32 $0x200;
	s6 =	sshrl.u32 s6, $0x3;
	s1 =	sadd.s32 s1, s7  }
0xf: {  	s22 =	sadd.s32 $0x20, s8;
	s23 =	sadd.s32 $0x40, s8;
	[dreg:$0xc] =	wrdreg s26  }
0x10: {  	s24 =	sadd.s32 $0x60, s8;
	s25 =	smax.u32 s5, $0x1;
	[dreg:$0x6] =	wrdreg s1  }
0x11: {  	s26 =	simm.s32 $0x7;
	s5 =	simm.s32 $0x380;
	[dreg:$0x7] =	wrdreg s22  }
0x12: {  	s7 =	simm.s32 $0x0;
	s0 =	sadd.s32 s6, s0;
	[dreg:$0x8] =	wrdreg s23  }
.Ltmp0:
0x13: {  	s6 =	sor.u32 $0x1C09, s20;
	[dreg:$0x9] =	wrdreg s24;
	(pc) =	sbr.rel .LBB2_1-.Ltmp0, $4  }
0x14: {  	[dreg:$0xb] =	wrdreg s25;
	s20 =	simm.s32 $0x300;
	s22 =	simm.s32 $0x80  }
0x15: {  	s23 =	simm.s32 $0x400;
	s24 =	simm.s32 $0x6;
	s11 =	sadd.s32 $0x70400, s0  }
0x16: {  	s1 =	simm.s32 $0x3;
	s0 =	sadd.s32 $0x84400, s0;
	[dreg:$0x5] =	wrdreg s11  }
0x17: {  	s25 =	simm.s32 $0x4;
	[dreg:$0xa] =	wrdreg s0;
	s0 =	simm.s32 $0x280  }
.LBB2_4:
0x18: {  	_ =	swait.ge [sflag:s25], $0x1000  }
0x19: {  	[sflag:s25] =	ssyncset.done $0x0  }
0x1a: {  	[sflag:s25] =	ssyncadd.s32 $0xFFFFF000  }
0x1b: {  	[spmem:s3] =	stream.indirect.scatter.add.f32 [tilespmem:s30], [sflag:$0x9], $0x20, s5, s22, $0xb8;
	[tilespmem:$0xE400] =	vst v63  }
0x1c: {  	_ =	swait.ge [sflag:s16], $0x1000  }
0x1d: {  	[sflag:s16] =	ssyncset.done $0x0  }
0x1e: {  	[sflag:s16] =	ssyncadd.s32 $0xFFFFF000  }
0x1f: {  	[bflag:$0x0] =	sbarrier.arrive $0xFFFF  }
0x20: {  	s9 =	rddreg [dreg:$0xa]  }
0x21: {  	[hbm:s9], [sflag:s6] =	dma.local [spmem:s17], $0xA00  }
0x22: {  	_ =	swait.ge [sflag:s16], $0xA00  }
0x23: {  	s7 =	sadd.s32 $0x1, s7;
	s15 =	rddreg [dreg:$0xb]  }
0x24: {  	p0 =	sne.s32 s7, s15  }
.Ltmp1:
0x25: {  	_ = 	snop;
	(pc) =	sbr.rel @!p0 .LBB2_5-.Ltmp1, $3  }
0x26: {  	_ =	sdelay $0x1  }
0x27: {  	[sflag:s16] =	ssyncset.done $0x0  }
0x28: {  	[sflag:s16] =	ssyncadd.s32 $0xFFFFF600  }
.LBB2_1:
0x29: {  	s9 =	rddreg [dreg:$0x5]  }
0x2a: {  	s10 =	rddreg [dreg:$0xc]  }
0x2b: {  	[spmem:s10], [sflag:s6] =	dma.local [hbm:s9], $0xA00  }
0x2c: {  	_ =	swait.ge [sflag:s16], $0xA00  }
0x2d: {  	[sflag:s16] =	ssyncset.done $0x0  }
0x2e: {  	s10 =	rddreg [dreg:$0x6];
	[sflag:s16] =	ssyncadd.s32 $0xFFFFF600  }
0x2f: {  	[spmem:s17], [sflag:s6] =	dma.local [hbm:s10], $0xA00  }
0x30: {  	_ =	swait.ge [sflag:s16], $0xA00  }
0x31: {  	[sflag:s16] =	ssyncset.done $0x0  }
0x32: {  	[sflag:s16] =	ssyncadd.s32 $0xFFFFF600  }
0x33: {  	[bflag:$0x0] =	sbarrier.arrive $0xFFFF  }
0x34: {  	[tilespmem:s4], [sflag:$0x5] =	stream.linear.gather [hbm4b:s8+s4], $0x100, $0x38;
	[tilespmem:$0xE400] =	vst v63  }
0x35: {  	s11 =	rddreg [dreg:$0x7]  }
0x36: {  	[tilespmem:s18], [sflag:$0x6] =	stream.linear.gather [hbm4b:s11+s4], $0x100, $0x38;
	[tilespmem:$0xE400] =	vst v63  }
0x37: {  	s12 =	rddreg [dreg:$0x8]  }
0x38: {  	[tilespmem:s19], [sflag:$0x7] =	stream.linear.gather [hbm4b:s12+s4], $0x100, $0x38;
	[tilespmem:$0xE400] =	vst v63  }
0x39: {  	s13 =	rddreg [dreg:$0x9]  }
0x3a: {  	[tilespmem:s20], [sflag:$0x8] =	stream.linear.gather [hbm4b:s13+s4], $0x100, $0x38;
	[tilespmem:$0xE400] =	vst v63  }
0x3b: {  	_ =	swait.ge [sflag:s21], $0x100  }
0x3c: {  	[sflag:s21] =	ssyncset.done $0x0  }
0x3d: {  	[sflag:s21] =	ssyncadd.s32 $0xFFFFFF00  }
0x3e: {  	[tilespmem:s23], [sflag:$0x1] =	stream.indirect.gather [spmem:s2], $0x20, s4, s22, $0xb8;
	[tilespmem:$0xE400] =	vst v63  }
0x3f: {  	_ =	swait.ge [sflag:s24], $0x100  }
0x40: {  	[sflag:s24] =	ssyncset.done $0x0  }
0x41: {  	s15 =	simm.s32 $0x1400;
	[sflag:s24] =	ssyncadd.s32 $0xFFFFFF00  }
0x42: {  	[tilespmem:s15], [sflag:$0x2] =	stream.indirect.gather [spmem:s2], $0x20, s18, s22, $0xb8;
	[tilespmem:$0xE400] =	vst v63  }
0x43: {  	_ =	swait.ge [sflag:s26], $0x100  }
0x44: {  	[sflag:s26] =	ssyncset.done $0x0  }
0x45: {  	s9 =	simm.s32 $0xFFFFEC80;
	[sflag:s26] =	ssyncadd.s32 $0xFFFFFF00  }
0x46: {  	[tilespmem:s28], [sflag:$0x3] =	stream.indirect.gather [spmem:s2], $0x20, s19, s22, $0xb8;
	[tilespmem:$0xE400] =	vst v63  }
.LBB2_2:
0x47: {  	_ =	swait.ge [sflag:s29], $0x100  }
0x48: {  	[sflag:s29] =	ssyncset.done $0x0  }
0x49: {  	[sflag:s29] =	ssyncadd.s32 $0xFFFFFF00  }
0x4a: {  	[tilespmem:s30], [sflag:$0x4] =	stream.indirect.gather [spmem:s2], $0x20, s20, s22, $0xb8;
	[tilespmem:$0xE400] =	vst v63  }
0x4b: {  	_ =	swait.ge [sflag:s31], $0x1000  }
0x4c: {  	[sflag:s31] =	ssyncset.done $0x0  }
0x4d: {  	[sflag:s31] =	ssyncadd.s32 $0xFFFFF000  }
0x4e: {  	[spmem:s3] =	stream.indirect.scatter.add.f32 [tilespmem:s23], [sflag:$0x9], $0x20, s22, s22, $0xb8;
	[tilespmem:$0xE400] =	vst v63  }
0x4f: {  	_ =	swait.ge [sflag:s16], $0x1000  }
0x50: {  	p0 =	seq.s32 s9, $0x0;
	[sflag:s16] =	ssyncset.done $0x0  }
0x51: {  	s10 =	simm.s32 @p0 $0x2;
	[sflag:s16] =	ssyncadd.s32 $0xFFFFF000  }
0x52: {  	_ =	swait.ge @p0 [sflag:s10], $0x1000  }
0x53: {  	s11 =	simm.s32 @p0 $0x180;
	[sflag:s10] =	ssyncset.done @p0 $0x0  }
0x54: {  	s12 =	simm.s32 @p0 $0x1400;
	[sflag:s10] =	ssyncadd.s32 @p0 $0xFFFFF000;
	s10 =	simm.s32 @p0 $0x80  }
0x55: {  	[spmem:s3] =	stream.indirect.scatter.add.f32 @p0 [tilespmem:s12], [sflag:$0x9], $0x20, s11, s10, $0xb8;
	[tilespmem:$0xE400] =	vst v63  }
0x56: {  	s10 =	simm.s32 @p0 $0x9  }
0x57: {  	_ =	swait.ge @p0 [sflag:s10], $0x1000  }
0x58: {  	s11 =	sadd.s32 @!p0 s9, s14;
	[sflag:s10] =	ssyncset.done @p0 $0x0  }
0x59: {  	s12 =	simm.s32 @!p0 $0x0;
	[sflag:s10] =	ssyncadd.s32 @p0 $0xFFFFF000;
	s10 =	sadd.s32 @!p0 $0x1400, s11  }
0x5a: {  	[tilespmem:s12], [sflag:$0x5] =	stream.linear.gather @!p0 [hbm4b:s10+s12], $0x100, $0x38;
	[tilespmem:$0xE400] =	vst v63  }
0x5b: {  	s10 =	simm.s32 @!p0 $0x5  }
0x5c: {  	_ =	swait.ge @!p0 [sflag:s10], $0x100  }
0x5d: {  	[sflag:s10] =	ssyncset.done @!p0 $0x0  }
0x5e: {  	s13 =	simm.s32 @!p0 $0x400;
	[sflag:s10] =	ssyncadd.s32 @!p0 $0xFFFFFF00;
	s10 =	simm.s32 @!p0 $0x80  }
0x5f: {  	[tilespmem:s13], [sflag:$0x1] =	stream.indirect.gather @!p0 [spmem:s2], $0x20, s12, s10, $0xb8;
	[tilespmem:$0xE400] =	vst v63  }
0x60: {  	s13 =	simm.s32 @!p0 $0x2  }
0x61: {  	_ =	swait.ge @!p0 [sflag:s13], $0x1000  }
0x62: {  	[sflag:s13] =	ssyncset.done @!p0 $0x0  }
0x63: {  	s15 =	simm.s32 @!p0 $0x1400;
	[sflag:s13] =	ssyncadd.s32 @!p0 $0xFFFFF000;
	s13 =	simm.s32 @!p0 $0x180  }
0x64: {  	[spmem:s3] =	stream.indirect.scatter.add.f32 @!p0 [tilespmem:s15], [sflag:$0x9], $0x20, s13, s10, $0xb8;
	[tilespmem:$0xE400] =	vst v63  }
0x65: {  	s13 =	simm.s32 @!p0 $0x9  }
0x66: {  	_ =	swait.ge @!p0 [sflag:s13], $0x1000  }
0x67: {  	[sflag:s13] =	ssyncset.done @!p0 $0x0  }
0x68: {  	s11 =	sadd.s32 @!p0 $0x1420, s11;
	[sflag:s13] =	ssyncadd.s32 @!p0 $0xFFFFF000;
	s13 =	simm.s32 @!p0 $0x100  }
0x69: {  	[tilespmem:s13], [sflag:$0x6] =	stream.linear.gather @!p0 [hbm4b:s11+s12], $0x100, $0x38;
	[tilespmem:$0xE400] =	vst v63  }
0x6a: {  	s11 =	simm.s32 @!p0 $0x6  }
0x6b: {  	_ =	swait.ge @!p0 [sflag:s11], $0x100  }
0x6c: {  	[sflag:s11] =	ssyncset.done @!p0 $0x0  }
0x6d: {  	[sflag:s11] =	ssyncadd.s32 @!p0 $0xFFFFFF00  }
0x6e: {  	[tilespmem:s15], [sflag:$0x2] =	stream.indirect.gather @!p0 [spmem:s2], $0x20, s13, s10, $0xb8;
	[tilespmem:$0xE400] =	vst v63  }
0x6f: {  	_ =	swait.ge [sflag:s1], $0x1000  }
0x70: {  	[sflag:s1] =	ssyncset.done $0x0  }
.Ltmp2:
0x71: {  	[sflag:s1] =	ssyncadd.s32 $0xFFFFF000;
	(pc) =	sbr.rel @p0 .LBB2_4-.Ltmp2, $4  }
0x72: {  	[spmem:s3] =	stream.indirect.scatter.add.f32 [tilespmem:s28], [sflag:$0x9], $0x20, s0, s22, $0xb8;
	[tilespmem:$0xE400] =	vst v63  }
0x73: {  	_ =	swait.ge [sflag:s16], $0x1000  }
0x74: {  	[sflag:s16] =	ssyncset.done $0x0  }
0x75: {  	[sflag:s16] =	ssyncadd.s32 $0xFFFFF000  }
0x76: {  	s10 =	sadd.s32 s9, s14  }
0x77: {  	s11 =	sadd.s32 $0x1440, s10  }
0x78: {  	[tilespmem:s19], [sflag:$0x7] =	stream.linear.gather [hbm4b:s11+s4], $0x100, $0x38;
	[tilespmem:$0xE400] =	vst v63  }
0x79: {  	_ =	swait.ge [sflag:s26], $0x100  }
0x7a: {  	[sflag:s26] =	ssyncset.done $0x0  }
0x7b: {  	[sflag:s26] =	ssyncadd.s32 $0xFFFFFF00  }
0x7c: {  	[tilespmem:s28], [sflag:$0x3] =	stream.indirect.gather [spmem:s2], $0x20, s19, s22, $0xb8;
	[tilespmem:$0xE400] =	vst v63  }
0x7d: {  	_ =	swait.ge [sflag:s25], $0x1000  }
0x7e: {  	[sflag:s25] =	ssyncset.done $0x0  }
0x7f: {  	[sflag:s25] =	ssyncadd.s32 $0xFFFFF000  }
0x80: {  	[spmem:s3] =	stream.indirect.scatter.add.f32 [tilespmem:s30], [sflag:$0x9], $0x20, s5, s22, $0xb8;
	[tilespmem:$0xE400] =	vst v63  }
.Ltmp3:
0x81: {  	_ = 	snop;
	(pc) =	sbr.rel .LBB2_2-.Ltmp3, $4  }
0x82: {  	_ =	swait.ge [sflag:s16], $0x1000  }
0x83: {  	[sflag:s16] =	ssyncset.done $0x0  }
0x84: {  	s9 =	sadd.s32 $0x80, s9;
	s10 =	sadd.s32 $0x1460, s10;
	[sflag:s16] =	ssyncadd.s32 $0xFFFFF000  }
0x85: {  	[tilespmem:s20], [sflag:$0x8] =	stream.linear.gather [hbm4b:s10+s4], $0x100, $0x38;
	[tilespmem:$0xE400] =	vst v63  }
.LBB2_5:
0x86: {  	_ =	sfence.sel $0x180000  }
0x87: {  	[bflag:$0x0] =	sbarrier.arrive $0xFFFF  }
0x88: {  	_ =	strace $0x9000004D  }
0x89: {  	s0 =	stileid.u32;
	[bflag:$0x2] =	sbarrier.arrive $0xFFFF  }
0x8a: {  	p0 =	sne.s32 s0, $0x0;
	s0 =	rddreg [dreg:$0x4]  }
0x8b: {  	s0 =	sadd.s32 @!p0 $0x100000, s0  }
0x8c: {  	[sflag:s0] =	ssyncadd.tile.s32 @!p0 $0x1;
	_ =	shalt  }
.Lfunc_end2:
_tile_overlayer_lowered:
.L_overlay_start_2:
0x8d: {  	(tag) =	ssettag $0x2  }
0x8e: {  	s0 =	rddreg [dreg:$0x0];
	s2 =	stileid.u32  }
0x8f: {  	s1 =	rddreg [dreg:$0x1];
	p0 =	sne.s32 s2, $0x0  }
0x90: {  	s3 =	rddreg [dreg:$0x2];
	[bflag:$0x3] =	sbarrier.arrive $0xFFFF;
	s2 =	simm.s32 @!p0 $0x1C09  }
0x91: {  	[timem:s3], [sflag:s2] =	dma.local @!p0 [hbm:s0], s1  }
0x92: {  	s0 =	simm.s32 @!p0 $0x9  }
0x93: {  	_ =	swait.ge @!p0 [sflag:s0], s1  }
0x94: {  	s1 =	ssub.s32 @!p0 $0x0, s1;
	[sflag:s0] =	ssyncset.done @!p0 $0x0  }
0x95: {  	[sflag:s0] =	ssyncadd.s32 @!p0 s1  }
0x96: {  	[bflag:$0x3] =	sbarrier.arrive $0xFFFF  }
0x97: {  	_ =	shalt  }

// kernel: kernel.8.cloned.1.call-start
scs
__scs_entry_jumppad:
0x0: {  	(pc) =	sbr.rel $0x88, $3  }
0x1: {  	(tag) =	ssettag $0x0;
	lr =	simm.s32 $0x1  }
0x2: {  	[smem:$0x3F9B] =	sst lr;
	_ =	strace $0xD0000000  }
0x3: {  	_ = 	snop  }
0x4: {  	_ = 	snop  }
0x5: {  	_ = 	snop  }
0x6: {  	_ = 	snop  }
0x7: {  	_ = 	snop  }
__scs_overlays_trampoline_lowered:
0x8: {  	[smem:$0x3FAA] =	sst s0  }
0x9: {  	[smem:$0x3FAB] =	sst s1  }
0xa: {  	[smem:$0x3FAC] =	sst s2  }
0xb: {  	[smem:$0x3FAD] =	sst s3  }
0xc: {  	[smem:$0x3FAE] =	sst s4  }
0xd: {  	[smem:$0x3FAF] =	sst s5  }
0xe: {  	[smem:$0x3FB0] =	sst s6  }
0xf: {  	[smem:$0x3FB1] =	sst s7  }
0x10: {  	[smem:$0x3FB2] =	sst s8  }
0x11: {  	[smem:$0x3FB3] =	sst s9;
	s0 =	simm.s32 @!p0 $0x0  }
0x12: {  	s1 =	sld [smem:$0x3F99];
	s0 =	simm.s32 @p0 $0x1  }
0x13: {  	[smem:$0x3FB4] =	sst s0;
	s0 =	simm.s32 @!p1 $0x0  }
0x14: {  	s2 =	sld [smem:$0x3F98];
	s0 =	simm.s32 @p1 $0x1  }
0x15: {  	[smem:$0x3FB5] =	sst s0;
	s0 =	simm.s32 @!p2 $0x0  }
0x16: {  	s3 =	sld [smem:$0x3FDB];
	s0 =	simm.s32 @p2 $0x1  }
0x17: {  	s4 =	simm.s32 $0x1BF5;
	[smem:$0x3FB7] =	sst s0  }
0x18: {  	s0 =	sld [smem:$0x3F9A];
	_ =	swait.ge [sflag:s4], $0x0  }
0x19: {  	s7 =	sld [smem:$0x3F9B]  }
0x1a: {  	s8 =	sadd.s32 $0xFFFFE003, lr  }
0x1b: {  	s9 =	sadd.s32 $0xFFFFFEF7, lr;
	s5 =	simm.s32 $0xFFFFFFFF;
	p2 =	slt.u32 s8, $0xFFFFF086  }
0x1c: {  	p1 =	slt.u32 s9, $0xF7A;
	s5 =	simm.s32 @!p2 $0x0  }
0x1d: {  	s5 =	simm.s32 @p1 $0x1;
	p0 =	seq.s32 s7, s2  }
0x1e: {  	s7 =	smul.u32 @!p0 $0xF7A, s2;
	p2 =	seq.s32 @!p0 s5, $0x0  }
0x1f: {  	s9 =	smul.u32 $0xF7A, s1;
	s8 =	simm.s32 @!p0 $0x1BF5;
	p2 =	por !p2, p0  }
0x20: {  	[sflag:s8] =	ssyncset.s32 @!p0 $0xFFFFF086;
	s6 =	sadd.s32 @!p0 s3, s7;
	s7 =	simm.s32 @!p0 $0x108  }
0x21: {  	s3 =	sadd.s32 s3, s9;
	s6 =	sadd.s32 @!p0 $0x88, s6;
	s7 =	simm.s32 @p2 $0x1082  }
0x22: {  	[simem:s7], [sflag:s8] =	dma.local @!p0 [hbm:s6], $0xF7A  }
0x23: {  	s9 =	sor.u32 $0xD0000000, s2;
	s6 =	simm.s32 $0x108;
	_ =	swait.ge @!p0 [sflag:s8], $0x0  }
0x24: {  	s3 =	sadd.s32 $0x88, s3;
	s6 =	simm.s32 @!p1 $0x1082;
	[sflag:s4] =	ssyncset.s32 $0xFFFFF086  }
0x25: {  	[simem:s6], [sflag:s4] =	dma.local [hbm:s3], $0xF7A  }
0x26: {  	[smem:$0x3F9B] =	sst s1;
	(tag) =	ssettag s2;
	_ =	strace s9  }
0x27: {  	s1 =	sld [smem:$0x3FAB]  }
0x28: {  	s2 =	sld [smem:$0x3FAC]  }
0x29: {  	s4 =	sld [smem:$0x3FAE]  }
0x2a: {  	p0 =	seq.s32 s5, $0x0;
	s5 =	sld [smem:$0x3FAF]  }
0x2b: {  	s6 =	sld [smem:$0x3FB0]  }
0x2c: {  	s7 =	sld [smem:$0x3FB1]  }
0x2d: {  	s3 =	simm.s32 $0x108;
	s8 =	sld [smem:$0x3FB2]  }
0x2e: {  	s3 =	simm.s32 @!p0 $0x1082;
	s9 =	sld [smem:$0x3FB3]  }
0x2f: {  	lr =	sadd.s32 s0, s3;
	s0 =	sld [smem:$0x3FAA]  }
0x30: {  	s3 =	sld [smem:$0x3FAD]  }
0x31: {  	[smem:$0x3FB6] =	sst s10  }
0x32: {  	s10 =	sld [smem:$0x3FB4];
	_ =	sdelay $0x3  }
0x33: {  	p0 =	seq.s32 s10, $0x1;
	s10 =	sld [smem:$0x3FB6];
	_ =	sdelay $0x3  }
0x34: {  	[smem:$0x3FB6] =	sst s10  }
0x35: {  	s10 =	sld [smem:$0x3FB5];
	_ =	sdelay $0x3  }
0x36: {  	p1 =	seq.s32 s10, $0x1;
	s10 =	sld [smem:$0x3FB6];
	_ =	sdelay $0x3  }
0x37: {  	[smem:$0x3FB6] =	sst s10  }
0x38: {  	s10 =	sld [smem:$0x3FB7]  }
0x39: {  	_ = 	snop;
	(pc) =	sbr.ind lr, $3  }
0x3a: {  	_ = 	snop  }
0x3b: {  	_ = 	snop  }
0x3c: {  	p2 =	seq.s32 s10, $0x1;
	s10 =	sld [smem:$0x3FB6]  }
0x3d: {  	_ =	shalt  }
0x3e: {  	_ =	shalt  }
0x3f: {  	_ =	shalt  }
0x40: {  	_ =	shalt  }
0x41: {  	_ =	shalt  }
0x42: {  	_ =	shalt  }
0x43: {  	_ =	shalt  }
0x44: {  	_ =	shalt  }
0x45: {  	_ =	shalt  }
0x46: {  	_ =	shalt  }
0x47: {  	_ =	shalt  }
0x48: {  	_ =	shalt  }
0x49: {  	_ =	shalt  }
0x4a: {  	_ =	shalt  }
0x4b: {  	_ =	shalt  }
0x4c: {  	_ =	shalt  }
0x4d: {  	_ =	shalt  }
0x4e: {  	_ =	shalt  }
0x4f: {  	_ =	shalt  }
0x50: {  	_ =	shalt  }
0x51: {  	_ =	shalt  }
0x52: {  	_ =	shalt  }
0x53: {  	_ =	shalt  }
0x54: {  	_ =	shalt  }
0x55: {  	_ =	shalt  }
0x56: {  	_ =	shalt  }
0x57: {  	_ =	shalt  }
0x58: {  	_ =	shalt  }
0x59: {  	_ =	shalt  }
0x5a: {  	_ =	shalt  }
0x5b: {  	_ =	shalt  }
0x5c: {  	_ =	shalt  }
0x5d: {  	_ =	shalt  }
0x5e: {  	_ =	shalt  }
0x5f: {  	_ =	shalt  }
0x60: {  	_ =	shalt  }
0x61: {  	_ =	shalt  }
0x62: {  	_ =	shalt  }
0x63: {  	_ =	shalt  }
0x64: {  	_ =	shalt  }
0x65: {  	_ =	shalt  }
0x66: {  	_ =	shalt  }
0x67: {  	_ =	shalt  }
0x68: {  	_ =	shalt  }
0x69: {  	_ =	shalt  }
0x6a: {  	_ =	shalt  }
0x6b: {  	_ =	shalt  }
0x6c: {  	_ =	shalt  }
0x6d: {  	_ =	shalt  }
0x6e: {  	_ =	shalt  }
0x6f: {  	_ =	shalt  }
0x70: {  	_ =	shalt  }
0x71: {  	_ =	shalt  }
0x72: {  	_ =	shalt  }
0x73: {  	_ =	shalt  }
0x74: {  	_ =	shalt  }
0x75: {  	_ =	shalt  }
0x76: {  	_ =	shalt  }
0x77: {  	_ =	shalt  }
0x78: {  	_ =	shalt  }
0x79: {  	_ =	shalt  }
0x7a: {  	_ =	shalt  }
0x7b: {  	_ =	shalt  }
0x7c: {  	_ =	shalt  }
0x7d: {  	_ =	shalt  }
0x7e: {  	_ =	shalt  }
0x7f: {  	_ =	shalt  }
0x80: {  	_ =	shalt  }
0x81: {  	_ =	shalt  }
0x82: {  	_ =	shalt  }
0x83: {  	_ =	shalt  }
0x84: {  	_ =	shalt  }
0x85: {  	_ =	shalt  }
0x86: {  	_ =	shalt  }
0x87: {  	_ =	shalt  }
.Lfunc_end0:
.L_simem_size_0:
called_computation_lowered:
.L_overlay_start_0:
0x88: {  	s2 =	sld [smem:$0x3FD9]  }
0x89: {  	s3 =	sld [smem:$0x3FFE];
	_ =	sdelay $0x1  }
0x8a: {  	s1 =	srdreg.scid  }
0x8b: {  	s0 =	sand.u32 $0x1, s1  }
0x8c: {  	s17 =	sshll.u32 s0, $0xA;
	s2 =	sadd.s32 s3, s2  }
0x8d: {  	s2 =	sadd.s32 s2, s17  }
0x8e: {  	[smem:$0x3FC2] =	sst s2  }
0x8f: {  	_ = 	snop  }
0x90: {  	s2 =	sld [smem:$0x3FD0];
	(tm) =	ssettm $0x1  }
0x91: {  	s18 =	sld [smem:$0x3FFB];
	_ =	sdelay $0x3  }
0x92: {  	_ =	strace s18  }
0x93: {  	s3 =	sld [smem:$0x3FFC];
	_ =	sdelay $0x3  }
0x94: {  	_ =	strace s3  }
0x95: {  	s3 =	sld [smem:$0x3FFD];
	_ =	sdelay $0x3  }
0x96: {  	_ =	strace s3  }
0x97: {  	_ =	strace $0x8FFFFFFF  }
0x98: {  	s19 =	sld [smem:$0x3FDB];
	_ =	sdelay $0x1  }
0x99: {  	s4 =	simm.s32 $_scs_section_size  }
0x9a: {  	s5 =	simm.s32 $_size__tile_overlayer_lowered;
	s6 =	simm.s32 $_tile_overlayer_lowered  }
0x9b: {  	s22 =	simm.s32 $0x1BFF;
	s21 =	sshll.u32 s6, $0x1;
	s3 =	sadd.s32 s4, s19  }
0x9c: {  	s7 =	simm.s32 $0x0;
	s20 =	sshll.u32 s5, $0x1;
	s5 =	sadd.s32 s21, s3  }
0x9d: {  	[timem:s7], [sflag:s22] =	dma.local [hbm:s5], s20  }
0x9e: {  	_ =	swait.ge [sflag:s22], s20  }
0x9f: {  	s4 =	ssub.s32 $0x0, s20;
	[sflag:s22] =	ssyncset.done $0x0  }
0xa0: {  	[sflag:s22] =	ssyncadd.s32 s4;
	_ =	sdelay $0x1  }
0xa1: {  	s23 =	simm.s32 $0x1B8B  }
0xa2: {  	_ =	swait.ge [sflag:s23], $0x1  }
0xa3: {  	[sflag:s23] =	ssyncset.done $0x0  }
0xa4: {  	s25 =	simm.s32 $0x1B8E;
	s24 =	sld [smem:$0x3FFE];
	[sflag:s23] =	ssyncadd.s32 $0xFFFFFFFF  }
0xa5: {  	s26 =	simm.s32 $execute0_lowered;
	[smem:$0x3FD2] =	sst s25  }
0xa6: {  	s5 =	sshll.u32 s26, $0x1;
	_ =	strace $0x80000046;
	[dreg:$0x1] =	wrdreg $0xFFFFFFFF  }
0xa7: {  	s28 =	simm.s32 $_size_execute0_lowered;
	s3 =	sadd.s32 s3, s5;
	[dreg:$0x0] =	wrdreg $0x0  }
0xa8: {  	s5 =	sshll.u32 s28, $0x1;
	[dreg:$0x2] =	wrdreg s3  }
0xa9: {  	[dreg:$0x3] =	wrdreg s5  }
0xaa: {  	[dreg:$0x4] =	wrdreg $0xC0  }
0xab: {  	_ =	task [dreg:s7], $0x5FFFF  }
0xac: {  	[dreg:$0x1] =	wrdreg $0xFFFFFFFF  }
0xad: {  	[dreg:$0x0] =	wrdreg $0x60  }
0xae: {  	[dreg:$0x2] =	wrdreg s2  }
0xaf: {  	[dreg:$0x3] =	wrdreg s24  }
0xb0: {  	[dreg:$0x4] =	wrdreg $0x9  }
0xb1: {  	_ =	task.clear_ibuf [dreg:s7], $0x5FFFF;
	_ =	strace $0x90000046  }
0xb2: {  	s29 =	simm.s32 $0x9;
	_ =	strace $0x80000048  }
0xb3: {  	_ =	swait.ge [sflag:s29], $0x1  }
0xb4: {  	[sflag:s29] =	ssyncadd.s32 $0xFFFFFFFF  }
0xb5: {  	_ =	strace $0x90000048  }
0xb6: {  	_ =	sfence  }
0xb7: {  	s30 =	sld [smem:$0x0];
	_ =	sdelay $0x2  }
0xb8: {  	s31 =	sshll.u32 s1, $0xD;
	s1 =	sshrl.u32 s1, $0x2  }
0xb9: {  	s3 =	sand.u32 $0x4000, s31;
	s1 =	sadd.s32 s1, s30  }
0xba: {  	s0 =	sor.u32 s3, s0;
	s1 =	sshll.u32 s1, $0x11  }
0xbb: {  	s0 =	sor.u32 s1, s0  }
0xbc: {  	s0 =	sadd.s32 $0x8F2B, s0  }
0xbd: {  	[sflag:s0] =	ssyncadd.remote.s32 $0x1  }
0xbe: {  	_ =	sfence.sel $0xFFFF  }
0xbf: {  	[dreg:$0x0] =	wrdreg $0xFFFFFFFF;
	(pc) =	sbr.abs _section_cstart, $3  }
0xc0: {  	[dreg:$0x1] =	wrdreg $0xFFFFFFFF  }
0xc1: {  	_ =	task.clear_ibuf [dreg:s7], $0x2FFFF;
	_ =	strace $0x9FFFFFFF  }
0xc2: {  	(tm) =	ssettm $0x7FFFFFFF  }
0xc3: {  	_ =	shalt  }
tec
execute0_lowered:
.L_overlay_start_1:
0x0: {  	(tag) =	ssettag $0x1  }
0x1: {  	s0 =	srdreg.scid;
	s3 =	rddreg [dreg:$0x0]  }
0x2: {  	s5 =	rddreg [dreg:$0x1];
	s4 =	sand.u32 $0x1, s0  }
0x3: {  	s1 =	stileid.u32;
	s8 =	simm.s32 $0x0;
	s2 =	sshll.u32 s4, $0x4  }
0x4: {  	s4 =	ssub.s32 $0x2, s4;
	s6 =	sor.u32 s1, s2;
	s2 =	simm.s32 $0x0  }
0x5: {  	s7 =	sshrl.u32 s4, $0x1;
	s6 =	smul.u32 $0x500, s6;
	[smem:$0x7FF] =	sst s2  }
0x6: {  	s0 =	rddreg [dreg:$0x2];
	s7 =	ssub.s32 s4, s7;
	_ =	strace $0x80000047  }
0x7: {  	s5 =	sadd.s32 s6, s5;
	s3 =	sadd.s32 s3, s6;
	s6 =	simm.s32 $0x1  }
0x8: {  	v0 =	vimm.f32 $0.0e+00;
	v1 =	vimm.f32 $1.000000000e+00;
	s4 =	sadd.s32 $0x2400, s5;
	s5 =	smax.u32 s7, $0x1;
	s7 =	simm.s32 $0x2800  }
.LBB2_1:
0x9: {  	s9 =	simm.s32 $0x40;
	s10 =	simm.s32 $0x0  }
.LBB2_2:
0xa: {  	p0 =	sne.s32 s9, $0x9FC0;
	[tilespmem:s10+$0x2800] =	vst v0;
	s10 =	smov.u32 s9;
	s9 =	sadd.s32 $0x40, s9  }
.Ltmp0:
0xb: {  	(pc) =	sbr.rel @p0 .LBB2_2-.Ltmp0, $2  }
0xc: {  	_ =	sdelay $0x2  }
0xd: {  	s10 =	sshra.s32 s10, $0x2  }
0xe: {  	[tilespmem:s10+$0x2800] =	vst v0;
	s9 =	simm.s32 $0x0  }
0xf: {  	[tilespmem:s9], [sflag:$0x1] =	stream.linear.gather [hbm4b:s3+s9], $0x2800, $0x38;
	[tilespmem:$0x5000] =	vst v63  }
0x10: {  	_ =	swait.ge [sflag:s6], $0x2800  }
0x11: {  	[sflag:s6] =	ssyncset.done $0x0  }
0x12: {  	[sflag:s6] =	ssyncadd.s32 $0xFFFFD800  }
.LBB2_4:
0x13: {  	s10 =	sshra.s32 s9, $0x2  }
0x14: {  	v2 =	vld [tilespmem:s10+$0x0];
	_ =	sdelay $0x7  }
0x15: {  	[tilespmem:v2+s7+$0x0] =	vst.idx.add.f32.msk $0xffff, v1  }
0x16: {  	v2 =	vld [tilespmem:s10+$0x10];
	_ =	sdelay $0x7  }
0x17: {  	[tilespmem:v2+s7+$0x0] =	vst.idx.add.f32.msk $0xffff, v1  }
0x18: {  	v2 =	vld [tilespmem:s10+$0x20];
	_ =	sdelay $0x7  }
0x19: {  	[tilespmem:v2+s7+$0x0] =	vst.idx.add.f32.msk $0xffff, v1  }
0x1a: {  	v2 =	vld [tilespmem:s10+$0x30];
	_ =	sdelay $0x7  }
0x1b: {  	[tilespmem:v2+s7+$0x0] =	vst.idx.add.f32.msk $0xffff, v1  }
0x1c: {  	v2 =	vld [tilespmem:s10+$0x40];
	_ =	sdelay $0x7  }
0x1d: {  	[tilespmem:v2+s7+$0x0] =	vst.idx.add.f32.msk $0xffff, v1  }
0x1e: {  	v2 =	vld [tilespmem:s10+$0x50];
	_ =	sdelay $0x7  }
0x1f: {  	[tilespmem:v2+s7+$0x0] =	vst.idx.add.f32.msk $0xffff, v1  }
0x20: {  	v2 =	vld [tilespmem:s10+$0x60];
	_ =	sdelay $0x7  }
0x21: {  	[tilespmem:v2+s7+$0x0] =	vst.idx.add.f32.msk $0xffff, v1  }
0x22: {  	v2 =	vld [tilespmem:s10+$0x70];
	_ =	sdelay $0x2  }
0x23: {  	p0 =	sne.s32 s9, $0x9E00  }
.Ltmp1:
0x24: {  	_ = 	snop;
	(pc) =	sbr.rel @p0 .LBB2_4-.Ltmp1, $2  }
0x25: {  	_ =	sdelay $0x2  }
0x26: {  	s9 =	sadd.s32 $0x200, s9;
	[tilespmem:v2+s7+$0x0] =	vst.idx.add.f32.msk $0xffff, v1  }
0x27: {  	s8 =	sadd.s32 $0x1, s8  }
0x28: {  	p0 =	sne.s32 s8, s5  }
.Ltmp2:
0x29: {  	_ = 	snop;
	(pc) =	sbr.rel @p0 .LBB2_1-.Ltmp2, $4  }
0x2a: {  	[hbm4b:s4+s2] =	stream.linear.scatter [tilespmem:s7], [sflag:$0x1], $0x2800, $0x38;
	[tilespmem:$0x5000] =	vst v63  }
0x2b: {  	_ =	swait.ge [sflag:s6], $0x2800  }
0x2c: {  	[sflag:s6] =	ssyncset.done $0x0  }
0x2d: {  	[sflag:s6] =	ssyncadd.s32 $0xFFFFD800  }
0x2e: {  	_ =	sfence.sel $0x180000  }
0x2f: {  	[bflag:$0x0] =	sbarrier.arrive $0xFFFF  }
0x30: {  	p0 =	sne.s32 s1, $0x0;
	_ =	strace $0x90000047  }
0x31: {  	s0 =	sadd.s32 @!p0 $0x100000, s0;
	[bflag:$0x2] =	sbarrier.arrive $0xFFFF  }
0x32: {  	[sflag:s0] =	ssyncadd.tile.s32 @!p0 $0x1;
	_ =	shalt  }
.Lfunc_end2:
_tile_overlayer_lowered:
.L_overlay_start_2:
0x33: {  	(tag) =	ssettag $0x2  }
0x34: {  	s0 =	rddreg [dreg:$0x0];
	s2 =	stileid.u32  }
0x35: {  	s1 =	rddreg [dreg:$0x1];
	p0 =	sne.s32 s2, $0x0  }
0x36: {  	s3 =	rddreg [dreg:$0x2];
	[bflag:$0x3] =	sbarrier.arrive $0xFFFF;
	s2 =	simm.s32 @!p0 $0x1C01  }
0x37: {  	[timem:s3], [sflag:s2] =	dma.local @!p0 [hbm:s0], s1  }
0x38: {  	s0 =	simm.s32 @!p0 $0x1  }
0x39: {  	_ =	swait.ge @!p0 [sflag:s0], s1  }
0x3a: {  	s1 =	ssub.s32 @!p0 $0x0, s1;
	[sflag:s0] =	ssyncset.done @!p0 $0x0  }
0x3b: {  	[sflag:s0] =	ssyncadd.s32 @!p0 s1  }
0x3c: {  	[bflag:$0x3] =	sbarrier.arrive $0xFFFF  }
0x3d: {  	_ =	shalt  }

</sc_bundles>
